<compile_context>
chip_gen: v7x
topology: tpu7x:2x2x1
jax: 0.10.2.dev20260603
libtpu: 0.0.44.dev20260713+nightly
codegen_flags: <defaults>
</compile_context>

<pallas_src>
import functools

import jax
import jax.numpy as jnp
from jax import lax
from jax.experimental import pallas as pl
from jax.experimental.pallas import tpu as pltpu
from jax.experimental.pallas import tpu_sc as plsc

E = 160000
D = 256
L = 16
NW = 32
EPW = E // NW
C = 16
NCH = -(-EPW // C)
NROW = NCH + 1
CPAD = NCH * C


def _dot_body(h_hbm, src_hbm, dst_hbm, out_hbm, src_v, dst_v, u0, v0, u1, v1,
              out_v, sem0, sem1):
    wid = lax.axis_index("s") * 2 + lax.axis_index("c")
    base = wid * EPW
    pltpu.sync_copy(src_hbm.at[wid], src_v)
    pltpu.sync_copy(dst_hbm.at[wid], dst_v)

    def start(j, us, vs, sem):
        pltpu.async_copy(h_hbm.at[src_v.at[j, pl.ds(0, 8)]],
                         us.at[pl.ds(0, 8)], sem)
        pltpu.async_copy(h_hbm.at[src_v.at[j, pl.ds(8, 8)]],
                         us.at[pl.ds(8, 8)], sem)
        pltpu.async_copy(h_hbm.at[dst_v.at[j, pl.ds(0, 8)]],
                         vs.at[pl.ds(0, 8)], sem)
        pltpu.async_copy(h_hbm.at[dst_v.at[j, pl.ds(8, 8)]],
                         vs.at[pl.ds(8, 8)], sem)

    def wait(us, vs, sem):
        pltpu.make_async_copy(h_hbm.at[src_v.at[0]], us, sem).wait()
        pltpu.make_async_copy(h_hbm.at[src_v.at[0]], vs, sem).wait()

    lane = lax.iota(jnp.int32, L)

    def compute_chunk(u_v, v_v, j):
        def edge_body(i, gvec):
            p = [u_v[i, pl.ds(k * L, L)] * v_v[i, pl.ds(k * L, L)]
                 for k in range(D // L)]
            while len(p) > 1:
                p = [p[a] + p[a + 1] for a in range(0, len(p), 2)]
            return jnp.where(lane == i, jnp.sum(p[0]), gvec)

        gvec = lax.fori_loop(0, L, edge_body, jnp.zeros((L,), jnp.float32))
        out_v[pl.ds(j * C, L)] = gvec

    start(0, u0, v0, sem0)
    start(1, u1, v1, sem1)

    def pair_body(i, _):
        j0 = 2 * i
        wait(u0, v0, sem0)
        compute_chunk(u0, v0, j0)
        start(j0 + 2, u0, v0, sem0)
        wait(u1, v1, sem1)
        compute_chunk(u1, v1, j0 + 1)
        start(j0 + 3, u1, v1, sem1)
        return 0

    lax.fori_loop(0, (NCH - 1) // 2, pair_body, 0)

    wait(u0, v0, sem0)
    compute_chunk(u0, v0, NCH - 1)
    wait(u1, v1, sem1)
    pltpu.sync_copy(out_v.at[pl.ds(0, EPW)], out_hbm.at[pl.ds(base, EPW)])


_dot_kernel = functools.partial(
    pl.kernel,
    out_type=jax.ShapeDtypeStruct((E,), jnp.float32),
    mesh=plsc.VectorSubcoreMesh(core_axis_name="c", subcore_axis_name="s"),
    compiler_params=pltpu.CompilerParams(needs_layout_passes=False),
    scratch_types=[
        pltpu.VMEM((NROW, C), jnp.int32),
        pltpu.VMEM((NROW, C), jnp.int32),
        pltpu.VMEM((C, D), jnp.float32),
        pltpu.VMEM((C, D), jnp.float32),
        pltpu.VMEM((C, D), jnp.float32),
        pltpu.VMEM((C, D), jnp.float32),
        pltpu.VMEM((CPAD,), jnp.float32),
        pltpu.SemaphoreType.DMA,
        pltpu.SemaphoreType.DMA,
    ],
)(_dot_body)


@jax.jit
def kernel(h, edge_index):
    pad = ((0, 0), (0, NROW * C - EPW))
    src = jnp.pad(edge_index[0].astype(jnp.int32).reshape(NW, EPW), pad)
    dst = jnp.pad(edge_index[1].astype(jnp.int32).reshape(NW, EPW), pad)
    return _dot_kernel(h, src.reshape(NW, NROW, C), dst.reshape(NW, NROW, C))

# --- scband reference (transcript-rebuilt; emitter-appended) ---
"""Pipeline reference for scband-dot-predictor-29222957482078 (READ-ONLY COPY).

The authoritative reference and input builder live on the scoring server;
editing this copy changes nothing except your own understanding.
"""

import jax, jax.numpy as jnp
import numpy as np


def setup_inputs(seed: int = 0) -> dict:
    key = jax.random.key(seed)
    k1, k2 = jax.random.split(key)
    h = jax.random.normal(k1, (10000, 256), dtype=jnp.float32)
    edge_index = jax.random.randint(k2, (2, 160000), 0, 10000, dtype=jnp.int64)
    return {"h": h, "edge_index": edge_index}


def reference(h, edge_index):
    # DotPredictor: for each edge (u, v), score = dot(h[u], h[v])
    # Equivalent to dgl fn.u_dot_v('h', 'h', 'score') then edata['score'][:, 0]
    src = edge_index[0]
    dst = edge_index[1]
    h_u = jnp.take(h, src, axis=0)  # gather [E, d]
    h_v = jnp.take(h, dst, axis=0)  # gather [E, d]
    score = jnp.sum(h_u * h_v, axis=-1)  # [E]
    return score

if __name__ == "__main__":
    import jax
    _d = setup_inputs()
    print(jax.jit(kernel)(*tuple(_d.values())))

</pallas_src>

<mosaic_0001>
#map = affine_map<(d0, d1) -> (0, 0)>
#map1 = affine_map<(d0, d1) -> (0, 0, 0)>
#map2 = affine_map<(d0, d1) -> (0)>
module attributes {stable_mosaic.version = 14 : i64} {
  func.func @_dot_body(%arg0: i32, %arg1: i32, %arg2: memref<10000x256xf32, #tpu.memory_space<hbm>>, %arg3: memref<32x314x16xi32, #tpu.memory_space<hbm>>, %arg4: memref<32x314x16xi32, #tpu.memory_space<hbm>>, %arg5: memref<160000xf32, #tpu.memory_space<hbm>>, %arg6: memref<314x16xi32, #tpu.memory_space<vmem>>, %arg7: memref<314x16xi32, #tpu.memory_space<vmem>>, %arg8: memref<16x256xf32, #tpu.memory_space<vmem>>, %arg9: memref<16x256xf32, #tpu.memory_space<vmem>>, %arg10: memref<16x256xf32, #tpu.memory_space<vmem>>, %arg11: memref<16x256xf32, #tpu.memory_space<vmem>>, %arg12: memref<5008xf32, #tpu.memory_space<vmem>>, %arg13: memref<!tpu.dma_semaphore, #tpu.memory_space<semaphore_mem>>, %arg14: memref<!tpu.dma_semaphore, #tpu.memory_space<semaphore_mem>>) attributes {dimension_semantics = [#tpu.dimension_semantics<core_parallel>, #tpu.dimension_semantics<subcore_parallel>], iteration_bounds = array<i64: 2, 16>, scalar_prefetch = 0 : i64, scratch_operands = 9 : i64, tpu.core_type = #tpu.core_type<sc_vector_subcore>, window_params = [{transform_indices = #map}, {transform_indices = #map1}, {transform_indices = #map1}, {transform_indices = #map2}]} {
    %mul3A = arith.constant 2 : i32
    %mul3A_0 = arith.muli %arg1, %mul3A : i32
    %add3A = arith.addi %mul3A_0, %arg0 : i32
    %mul3A_1 = arith.constant 5000 : i32
    %mul3A_2 = arith.muli %add3A, %mul3A_1 : i32
    "tpu.region"() ({
      %run_scoped3A = tpu.sem_alloc : memref<!tpu.dma_semaphore, #tpu.memory_space<semaphore_mem>>
      %dma_start3A_123 = arith.constant 0 : i32
      %dma_start3A_124 = arith.constant 0 : i32
      %dma_start3A_125 = tpu.memref_slice %arg3[%add3A, %dma_start3A_123, %dma_start3A_124] : memref<32x314x16xi32, #tpu.memory_space<hbm>> -> memref<1x314x16xi32, #tpu.memory_space<hbm>>
      %dma_start3A_126 = tpu.memref_squeeze %dma_start3A_125 : memref<1x314x16xi32, #tpu.memory_space<hbm>> -> memref<314x16xi32, #tpu.memory_space<hbm>>
      %dma_start3A_127 = arith.constant 0 : i32
      %dma_start3A_128 = arith.constant 0 : i32
      %dma_start3A_129 = tpu.memref_slice %arg3[%add3A, %dma_start3A_127, %dma_start3A_128] : memref<32x314x16xi32, #tpu.memory_space<hbm>> -> memref<1x314x16xi32, #tpu.memory_space<hbm>>
      %dma_start3A_130 = tpu.memref_squeeze %dma_start3A_129 : memref<1x314x16xi32, #tpu.memory_space<hbm>> -> memref<314x16xi32, #tpu.memory_space<hbm>>
      tpu.enqueue_dma source(%dma_start3A_130 : memref<314x16xi32, #tpu.memory_space<hbm>>) target(%arg6 : memref<314x16xi32, #tpu.memory_space<vmem>>) target_semaphore(%run_scoped3A : memref<!tpu.dma_semaphore, #tpu.memory_space<semaphore_mem>>)
      %dma_wait3A_131 = arith.constant 0 : i32
      %dma_wait3A_132 = arith.constant 0 : i32
      %dma_wait3A_133 = tpu.memref_slice %arg3[%add3A, %dma_wait3A_131, %dma_wait3A_132] : memref<32x314x16xi32, #tpu.memory_space<hbm>> -> memref<1x314x16xi32, #tpu.memory_space<hbm>>
      %dma_wait3A_134 = tpu.memref_squeeze %dma_wait3A_133 : memref<1x314x16xi32, #tpu.memory_space<hbm>> -> memref<314x16xi32, #tpu.memory_space<hbm>>
      %dma_wait3A_135 = arith.constant 0 : i32
      %dma_wait3A_136 = arith.constant 0 : i32
      %dma_wait3A_137 = tpu.memref_slice %arg3[%add3A, %dma_wait3A_135, %dma_wait3A_136] : memref<32x314x16xi32, #tpu.memory_space<hbm>> -> memref<1x314x16xi32, #tpu.memory_space<hbm>>
      %dma_wait3A_138 = tpu.memref_squeeze %dma_wait3A_137 : memref<1x314x16xi32, #tpu.memory_space<hbm>> -> memref<314x16xi32, #tpu.memory_space<hbm>>
      tpu.wait_dma2 semaphore(%run_scoped3A : memref<!tpu.dma_semaphore, #tpu.memory_space<semaphore_mem>>) src(%dma_wait3A_138 : memref<314x16xi32, #tpu.memory_space<hbm>>) dst(%arg6 : memref<314x16xi32, #tpu.memory_space<vmem>>)
      tpu.yield
    }) : () -> ()
    "tpu.region"() ({
      %run_scoped3A = tpu.sem_alloc : memref<!tpu.dma_semaphore, #tpu.memory_space<semaphore_mem>>
      %dma_start3A_123 = arith.constant 0 : i32
      %dma_start3A_124 = arith.constant 0 : i32
      %dma_start3A_125 = tpu.memref_slice %arg4[%add3A, %dma_start3A_123, %dma_start3A_124] : memref<32x314x16xi32, #tpu.memory_space<hbm>> -> memref<1x314x16xi32, #tpu.memory_space<hbm>>
      %dma_start3A_126 = tpu.memref_squeeze %dma_start3A_125 : memref<1x314x16xi32, #tpu.memory_space<hbm>> -> memref<314x16xi32, #tpu.memory_space<hbm>>
      %dma_start3A_127 = arith.constant 0 : i32
      %dma_start3A_128 = arith.constant 0 : i32
      %dma_start3A_129 = tpu.memref_slice %arg4[%add3A, %dma_start3A_127, %dma_start3A_128] : memref<32x314x16xi32, #tpu.memory_space<hbm>> -> memref<1x314x16xi32, #tpu.memory_space<hbm>>
      %dma_start3A_130 = tpu.memref_squeeze %dma_start3A_129 : memref<1x314x16xi32, #tpu.memory_space<hbm>> -> memref<314x16xi32, #tpu.memory_space<hbm>>
      tpu.enqueue_dma source(%dma_start3A_130 : memref<314x16xi32, #tpu.memory_space<hbm>>) target(%arg7 : memref<314x16xi32, #tpu.memory_space<vmem>>) target_semaphore(%run_scoped3A : memref<!tpu.dma_semaphore, #tpu.memory_space<semaphore_mem>>)
      %dma_wait3A_131 = arith.constant 0 : i32
      %dma_wait3A_132 = arith.constant 0 : i32
      %dma_wait3A_133 = tpu.memref_slice %arg4[%add3A, %dma_wait3A_131, %dma_wait3A_132] : memref<32x314x16xi32, #tpu.memory_space<hbm>> -> memref<1x314x16xi32, #tpu.memory_space<hbm>>
      %dma_wait3A_134 = tpu.memref_squeeze %dma_wait3A_133 : memref<1x314x16xi32, #tpu.memory_space<hbm>> -> memref<314x16xi32, #tpu.memory_space<hbm>>
      %dma_wait3A_135 = arith.constant 0 : i32
      %dma_wait3A_136 = arith.constant 0 : i32
      %dma_wait3A_137 = tpu.memref_slice %arg4[%add3A, %dma_wait3A_135, %dma_wait3A_136] : memref<32x314x16xi32, #tpu.memory_space<hbm>> -> memref<1x314x16xi32, #tpu.memory_space<hbm>>
      %dma_wait3A_138 = tpu.memref_squeeze %dma_wait3A_137 : memref<1x314x16xi32, #tpu.memory_space<hbm>> -> memref<314x16xi32, #tpu.memory_space<hbm>>
      tpu.wait_dma2 semaphore(%run_scoped3A : memref<!tpu.dma_semaphore, #tpu.memory_space<semaphore_mem>>) src(%dma_wait3A_138 : memref<314x16xi32, #tpu.memory_space<hbm>>) dst(%arg7 : memref<314x16xi32, #tpu.memory_space<vmem>>)
      tpu.yield
    }) : () -> ()
    %iota3A = tpu.iota {dimensions = array<i32: 0>} : vector<16xi32>
    %dma_start3A = arith.constant 0 : i32
    %dma_start3A_3 = arith.constant 0 : i32
    %dma_start3A_4 = arith.constant 0 : i32
    %dma_start3A_5 = tpu.memref_slice %arg8[%dma_start3A_3, %dma_start3A_4] : memref<16x256xf32, #tpu.memory_space<vmem>> -> memref<8x256xf32, #tpu.memory_space<vmem>>
    %dma_start3A_6 = arith.constant 0 : i32
    %dma_start3A_7 = tpu.memref_slice %arg6[%dma_start3A, %dma_start3A_6] : memref<314x16xi32, #tpu.memory_space<vmem>> -> memref<1x8xi32, #tpu.memory_space<vmem>>
    %dma_start3A_8 = tpu.memref_squeeze %dma_start3A_7 : memref<1x8xi32, #tpu.memory_space<vmem>> -> memref<8xi32, #tpu.memory_space<vmem>>
    %dma_start3A_9 = arith.constant 0 : i32
    %dma_start3A_10 = arith.constant 0 : i32
    %dma_start3A_11 = tpu.memref_slice %arg2[%dma_start3A_9, %dma_start3A_10] : memref<10000x256xf32, #tpu.memory_space<hbm>> -> memref<10000x256xf32, #tpu.memory_space<hbm>>
    tpu.enqueue_indirect_dma source(%dma_start3A_11 : memref<10000x256xf32, #tpu.memory_space<hbm>>) target(%dma_start3A_5 : memref<8x256xf32, #tpu.memory_space<vmem>>) offsets(%dma_start3A_8 : memref<8xi32, #tpu.memory_space<vmem>>) semaphore(%arg13 : memref<!tpu.dma_semaphore, #tpu.memory_space<semaphore_mem>>)
    %dma_start3A_12 = arith.constant 0 : i32
    %dma_start3A_13 = arith.constant 8 : i32
    %dma_start3A_14 = arith.constant 0 : i32
    %dma_start3A_15 = tpu.memref_slice %arg8[%dma_start3A_13, %dma_start3A_14] : memref<16x256xf32, #tpu.memory_space<vmem>> -> memref<8x256xf32, #tpu.memory_space<vmem>>
    %dma_start3A_16 = arith.constant 8 : i32
    %dma_start3A_17 = tpu.memref_slice %arg6[%dma_start3A_12, %dma_start3A_16] : memref<314x16xi32, #tpu.memory_space<vmem>> -> memref<1x8xi32, #tpu.memory_space<vmem>>
    %dma_start3A_18 = tpu.memref_squeeze %dma_start3A_17 : memref<1x8xi32, #tpu.memory_space<vmem>> -> memref<8xi32, #tpu.memory_space<vmem>>
    %dma_start3A_19 = arith.constant 0 : i32
    %dma_start3A_20 = arith.constant 0 : i32
    %dma_start3A_21 = tpu.memref_slice %arg2[%dma_start3A_19, %dma_start3A_20] : memref<10000x256xf32, #tpu.memory_space<hbm>> -> memref<10000x256xf32, #tpu.memory_space<hbm>>
    tpu.enqueue_indirect_dma source(%dma_start3A_21 : memref<10000x256xf32, #tpu.memory_space<hbm>>) target(%dma_start3A_15 : memref<8x256xf32, #tpu.memory_space<vmem>>) offsets(%dma_start3A_18 : memref<8xi32, #tpu.memory_space<vmem>>) semaphore(%arg13 : memref<!tpu.dma_semaphore, #tpu.memory_space<semaphore_mem>>)
    %dma_start3A_22 = arith.constant 0 : i32
    %dma_start3A_23 = arith.constant 0 : i32
    %dma_start3A_24 = arith.constant 0 : i32
    %dma_start3A_25 = tpu.memref_slice %arg9[%dma_start3A_23, %dma_start3A_24] : memref<16x256xf32, #tpu.memory_space<vmem>> -> memref<8x256xf32, #tpu.memory_space<vmem>>
    %dma_start3A_26 = arith.constant 0 : i32
    %dma_start3A_27 = tpu.memref_slice %arg7[%dma_start3A_22, %dma_start3A_26] : memref<314x16xi32, #tpu.memory_space<vmem>> -> memref<1x8xi32, #tpu.memory_space<vmem>>
    %dma_start3A_28 = tpu.memref_squeeze %dma_start3A_27 : memref<1x8xi32, #tpu.memory_space<vmem>> -> memref<8xi32, #tpu.memory_space<vmem>>
    %dma_start3A_29 = arith.constant 0 : i32
    %dma_start3A_30 = arith.constant 0 : i32
    %dma_start3A_31 = tpu.memref_slice %arg2[%dma_start3A_29, %dma_start3A_30] : memref<10000x256xf32, #tpu.memory_space<hbm>> -> memref<10000x256xf32, #tpu.memory_space<hbm>>
    tpu.enqueue_indirect_dma source(%dma_start3A_31 : memref<10000x256xf32, #tpu.memory_space<hbm>>) target(%dma_start3A_25 : memref<8x256xf32, #tpu.memory_space<vmem>>) offsets(%dma_start3A_28 : memref<8xi32, #tpu.memory_space<vmem>>) semaphore(%arg13 : memref<!tpu.dma_semaphore, #tpu.memory_space<semaphore_mem>>)
    %dma_start3A_32 = arith.constant 0 : i32
    %dma_start3A_33 = arith.constant 8 : i32
    %dma_start3A_34 = arith.constant 0 : i32
    %dma_start3A_35 = tpu.memref_slice %arg9[%dma_start3A_33, %dma_start3A_34] : memref<16x256xf32, #tpu.memory_space<vmem>> -> memref<8x256xf32, #tpu.memory_space<vmem>>
    %dma_start3A_36 = arith.constant 8 : i32
    %dma_start3A_37 = tpu.memref_slice %arg7[%dma_start3A_32, %dma_start3A_36] : memref<314x16xi32, #tpu.memory_space<vmem>> -> memref<1x8xi32, #tpu.memory_space<vmem>>
    %dma_start3A_38 = tpu.memref_squeeze %dma_start3A_37 : memref<1x8xi32, #tpu.memory_space<vmem>> -> memref<8xi32, #tpu.memory_space<vmem>>
    %dma_start3A_39 = arith.constant 0 : i32
    %dma_start3A_40 = arith.constant 0 : i32
    %dma_start3A_41 = tpu.memref_slice %arg2[%dma_start3A_39, %dma_start3A_40] : memref<10000x256xf32, #tpu.memory_space<hbm>> -> memref<10000x256xf32, #tpu.memory_space<hbm>>
    tpu.enqueue_indirect_dma source(%dma_start3A_41 : memref<10000x256xf32, #tpu.memory_space<hbm>>) target(%dma_start3A_35 : memref<8x256xf32, #tpu.memory_space<vmem>>) offsets(%dma_start3A_38 : memref<8xi32, #tpu.memory_space<vmem>>) semaphore(%arg13 : memref<!tpu.dma_semaphore, #tpu.memory_space<semaphore_mem>>)
    %dma_start3A_42 = arith.constant 1 : i32
    %dma_start3A_43 = arith.constant 0 : i32
    %dma_start3A_44 = arith.constant 0 : i32
    %dma_start3A_45 = tpu.memref_slice %arg10[%dma_start3A_43, %dma_start3A_44] : memref<16x256xf32, #tpu.memory_space<vmem>> -> memref<8x256xf32, #tpu.memory_space<vmem>>
    %dma_start3A_46 = arith.constant 0 : i32
    %dma_start3A_47 = tpu.memref_slice %arg6[%dma_start3A_42, %dma_start3A_46] : memref<314x16xi32, #tpu.memory_space<vmem>> -> memref<1x8xi32, #tpu.memory_space<vmem>>
    %dma_start3A_48 = tpu.memref_squeeze %dma_start3A_47 : memref<1x8xi32, #tpu.memory_space<vmem>> -> memref<8xi32, #tpu.memory_space<vmem>>
    %dma_start3A_49 = arith.constant 0 : i32
    %dma_start3A_50 = arith.constant 0 : i32
    %dma_start3A_51 = tpu.memref_slice %arg2[%dma_start3A_49, %dma_start3A_50] : memref<10000x256xf32, #tpu.memory_space<hbm>> -> memref<10000x256xf32, #tpu.memory_space<hbm>>
    tpu.enqueue_indirect_dma source(%dma_start3A_51 : memref<10000x256xf32, #tpu.memory_space<hbm>>) target(%dma_start3A_45 : memref<8x256xf32, #tpu.memory_space<vmem>>) offsets(%dma_start3A_48 : memref<8xi32, #tpu.memory_space<vmem>>) semaphore(%arg14 : memref<!tpu.dma_semaphore, #tpu.memory_space<semaphore_mem>>)
    %dma_start3A_52 = arith.constant 1 : i32
    %dma_start3A_53 = arith.constant 8 : i32
    %dma_start3A_54 = arith.constant 0 : i32
    %dma_start3A_55 = tpu.memref_slice %arg10[%dma_start3A_53, %dma_start3A_54] : memref<16x256xf32, #tpu.memory_space<vmem>> -> memref<8x256xf32, #tpu.memory_space<vmem>>
    %dma_start3A_56 = arith.constant 8 : i32
    %dma_start3A_57 = tpu.memref_slice %arg6[%dma_start3A_52, %dma_start3A_56] : memref<314x16xi32, #tpu.memory_space<vmem>> -> memref<1x8xi32, #tpu.memory_space<vmem>>
    %dma_start3A_58 = tpu.memref_squeeze %dma_start3A_57 : memref<1x8xi32, #tpu.memory_space<vmem>> -> memref<8xi32, #tpu.memory_space<vmem>>
    %dma_start3A_59 = arith.constant 0 : i32
    %dma_start3A_60 = arith.constant 0 : i32
    %dma_start3A_61 = tpu.memref_slice %arg2[%dma_start3A_59, %dma_start3A_60] : memref<10000x256xf32, #tpu.memory_space<hbm>> -> memref<10000x256xf32, #tpu.memory_space<hbm>>
    tpu.enqueue_indirect_dma source(%dma_start3A_61 : memref<10000x256xf32, #tpu.memory_space<hbm>>) target(%dma_start3A_55 : memref<8x256xf32, #tpu.memory_space<vmem>>) offsets(%dma_start3A_58 : memref<8xi32, #tpu.memory_space<vmem>>) semaphore(%arg14 : memref<!tpu.dma_semaphore, #tpu.memory_space<semaphore_mem>>)
    %dma_start3A_62 = arith.constant 1 : i32
    %dma_start3A_63 = arith.constant 0 : i32
    %dma_start3A_64 = arith.constant 0 : i32
    %dma_start3A_65 = tpu.memref_slice %arg11[%dma_start3A_63, %dma_start3A_64] : memref<16x256xf32, #tpu.memory_space<vmem>> -> memref<8x256xf32, #tpu.memory_space<vmem>>
    %dma_start3A_66 = arith.constant 0 : i32
    %dma_start3A_67 = tpu.memref_slice %arg7[%dma_start3A_62, %dma_start3A_66] : memref<314x16xi32, #tpu.memory_space<vmem>> -> memref<1x8xi32, #tpu.memory_space<vmem>>
    %dma_start3A_68 = tpu.memref_squeeze %dma_start3A_67 : memref<1x8xi32, #tpu.memory_space<vmem>> -> memref<8xi32, #tpu.memory_space<vmem>>
    %dma_start3A_69 = arith.constant 0 : i32
    %dma_start3A_70 = arith.constant 0 : i32
    %dma_start3A_71 = tpu.memref_slice %arg2[%dma_start3A_69, %dma_start3A_70] : memref<10000x256xf32, #tpu.memory_space<hbm>> -> memref<10000x256xf32, #tpu.memory_space<hbm>>
    tpu.enqueue_indirect_dma source(%dma_start3A_71 : memref<10000x256xf32, #tpu.memory_space<hbm>>) target(%dma_start3A_65 : memref<8x256xf32, #tpu.memory_space<vmem>>) offsets(%dma_start3A_68 : memref<8xi32, #tpu.memory_space<vmem>>) semaphore(%arg14 : memref<!tpu.dma_semaphore, #tpu.memory_space<semaphore_mem>>)
    %dma_start3A_72 = arith.constant 1 : i32
    %dma_start3A_73 = arith.constant 8 : i32
    %dma_start3A_74 = arith.constant 0 : i32
    %dma_start3A_75 = tpu.memref_slice %arg11[%dma_start3A_73, %dma_start3A_74] : memref<16x256xf32, #tpu.memory_space<vmem>> -> memref<8x256xf32, #tpu.memory_space<vmem>>
    %dma_start3A_76 = arith.constant 8 : i32
    %dma_start3A_77 = tpu.memref_slice %arg7[%dma_start3A_72, %dma_start3A_76] : memref<314x16xi32, #tpu.memory_space<vmem>> -> memref<1x8xi32, #tpu.memory_space<vmem>>
    %dma_start3A_78 = tpu.memref_squeeze %dma_start3A_77 : memref<1x8xi32, #tpu.memory_space<vmem>> -> memref<8xi32, #tpu.memory_space<vmem>>
    %dma_start3A_79 = arith.constant 0 : i32
    %dma_start3A_80 = arith.constant 0 : i32
    %dma_start3A_81 = tpu.memref_slice %arg2[%dma_start3A_79, %dma_start3A_80] : memref<10000x256xf32, #tpu.memory_space<hbm>> -> memref<10000x256xf32, #tpu.memory_space<hbm>>
    tpu.enqueue_indirect_dma source(%dma_start3A_81 : memref<10000x256xf32, #tpu.memory_space<hbm>>) target(%dma_start3A_75 : memref<8x256xf32, #tpu.memory_space<vmem>>) offsets(%dma_start3A_78 : memref<8xi32, #tpu.memory_space<vmem>>) semaphore(%arg14 : memref<!tpu.dma_semaphore, #tpu.memory_space<semaphore_mem>>)
    %scan3A = arith.constant 0 : i32
    %scan3A_82 = arith.constant 0 : i32
    %scan3A_83 = arith.constant 156 : i32
    %scan3A_84 = arith.addi %scan3A_82, %scan3A_83 : i32
    %scan3A_85 = arith.constant 1 : i32
    %scan3A_86 = scf.for %scan3A_123 = %scan3A_82 to %scan3A_84 step %scan3A_85 iter_args(%scan3A_124 = %scan3A) -> (i32)  : i32 {
      %mul3A_125 = arith.constant 2 : i32
      %mul3A_126 = arith.muli %mul3A_125, %scan3A_123 : i32
      %dma_wait3A_127 = arith.constant 0 : i32
      %dma_wait3A_128 = arith.constant 0 : i32
      %dma_wait3A_129 = tpu.memref_slice %arg6[%dma_wait3A_127, %dma_wait3A_128] : memref<314x16xi32, #tpu.memory_space<vmem>> -> memref<1x16xi32, #tpu.memory_space<vmem>>
      %dma_wait3A_130 = tpu.memref_squeeze %dma_wait3A_129 : memref<1x16xi32, #tpu.memory_space<vmem>> -> memref<16xi32, #tpu.memory_space<vmem>>
      %dma_wait3A_131 = arith.constant 0 : i32
      %dma_wait3A_132 = arith.constant 0 : i32
      %dma_wait3A_133 = tpu.memref_slice %arg2[%dma_wait3A_131, %dma_wait3A_132] : memref<10000x256xf32, #tpu.memory_space<hbm>> -> memref<10000x256xf32, #tpu.memory_space<hbm>>
      tpu.wait_indirect_dma semaphore(%arg13 : memref<!tpu.dma_semaphore, #tpu.memory_space<semaphore_mem>>) src(%dma_wait3A_133 : memref<10000x256xf32, #tpu.memory_space<hbm>>) dst(%arg8 : memref<16x256xf32, #tpu.memory_space<vmem>>)
      %dma_wait3A_134 = arith.constant 0 : i32
      %dma_wait3A_135 = arith.constant 0 : i32
      %dma_wait3A_136 = tpu.memref_slice %arg6[%dma_wait3A_134, %dma_wait3A_135] : memref<314x16xi32, #tpu.memory_space<vmem>> -> memref<1x16xi32, #tpu.memory_space<vmem>>
      %dma_wait3A_137 = tpu.memref_squeeze %dma_wait3A_136 : memref<1x16xi32, #tpu.memory_space<vmem>> -> memref<16xi32, #tpu.memory_space<vmem>>
      %dma_wait3A_138 = arith.constant 0 : i32
      %dma_wait3A_139 = arith.constant 0 : i32
      %dma_wait3A_140 = tpu.memref_slice %arg2[%dma_wait3A_138, %dma_wait3A_139] : memref<10000x256xf32, #tpu.memory_space<hbm>> -> memref<10000x256xf32, #tpu.memory_space<hbm>>
      tpu.wait_indirect_dma semaphore(%arg13 : memref<!tpu.dma_semaphore, #tpu.memory_space<semaphore_mem>>) src(%dma_wait3A_140 : memref<10000x256xf32, #tpu.memory_space<hbm>>) dst(%arg9 : memref<16x256xf32, #tpu.memory_space<vmem>>)
      %broadcast_in_dim3A_141 = arith.constant 0.000000e+00 : f32
      %broadcast_in_dim3A_142 = vector.broadcast %broadcast_in_dim3A_141 : f32 to vector<16xf32>
      %scan3A_143 = arith.constant 0 : i32
      %scan3A_144 = arith.constant 16 : i32
      %scan3A_145 = arith.addi %scan3A_143, %scan3A_144 : i32
      %scan3A_146 = arith.constant 1 : i32
      %scan3A_147 = scf.for %scan3A_258 = %scan3A_143 to %scan3A_145 step %scan3A_146 iter_args(%scan3A_259 = %broadcast_in_dim3A_142) -> (vector<16xf32>)  : i32 {
        %get3A = arith.index_cast %scan3A_258 : i32 to index
        %get3A_260 = arith.constant 0 : index
        %get3A_261 = tpu.vector_load %arg8[%get3A, %get3A_260] {strides = array<i32>} : memref<16x256xf32, #tpu.memory_space<vmem>>, vector<16xf32>,
        %get3A_262 = arith.index_cast %scan3A_258 : i32 to index
        %get3A_263 = arith.constant 0 : index
        %get3A_264 = tpu.vector_load %arg9[%get3A_262, %get3A_263] {strides = array<i32>} : memref<16x256xf32, #tpu.memory_space<vmem>>, vector<16xf32>,
        %mul3A_265 = arith.mulf %get3A_261, %get3A_264 : vector<16xf32>
        %get3A_266 = arith.index_cast %scan3A_258 : i32 to index
        %get3A_267 = arith.constant 16 : index
        %get3A_268 = tpu.vector_load %arg8[%get3A_266, %get3A_267] {strides = array<i32>} : memref<16x256xf32, #tpu.memory_space<vmem>>, vector<16xf32>,
        %get3A_269 = arith.index_cast %scan3A_258 : i32 to index
        %get3A_270 = arith.constant 16 : index
        %get3A_271 = tpu.vector_load %arg9[%get3A_269, %get3A_270] {strides = array<i32>} : memref<16x256xf32, #tpu.memory_space<vmem>>, vector<16xf32>,
        %mul3A_272 = arith.mulf %get3A_268, %get3A_271 : vector<16xf32>
        %get3A_273 = arith.index_cast %scan3A_258 : i32 to index
        %get3A_274 = arith.constant 32 : index
        %get3A_275 = tpu.vector_load %arg8[%get3A_273, %get3A_274] {strides = array<i32>} : memref<16x256xf32, #tpu.memory_space<vmem>>, vector<16xf32>,
        %get3A_276 = arith.index_cast %scan3A_258 : i32 to index
        %get3A_277 = arith.constant 32 : index
        %get3A_278 = tpu.vector_load %arg9[%get3A_276, %get3A_277] {strides = array<i32>} : memref<16x256xf32, #tpu.memory_space<vmem>>, vector<16xf32>,
        %mul3A_279 = arith.mulf %get3A_275, %get3A_278 : vector<16xf32>
        %get3A_280 = arith.index_cast %scan3A_258 : i32 to index
        %get3A_281 = arith.constant 48 : index
        %get3A_282 = tpu.vector_load %arg8[%get3A_280, %get3A_281] {strides = array<i32>} : memref<16x256xf32, #tpu.memory_space<vmem>>, vector<16xf32>,
        %get3A_283 = arith.index_cast %scan3A_258 : i32 to index
        %get3A_284 = arith.constant 48 : index
        %get3A_285 = tpu.vector_load %arg9[%get3A_283, %get3A_284] {strides = array<i32>} : memref<16x256xf32, #tpu.memory_space<vmem>>, vector<16xf32>,
        %mul3A_286 = arith.mulf %get3A_282, %get3A_285 : vector<16xf32>
        %get3A_287 = arith.index_cast %scan3A_258 : i32 to index
        %get3A_288 = arith.constant 64 : index
        %get3A_289 = tpu.vector_load %arg8[%get3A_287, %get3A_288] {strides = array<i32>} : memref<16x256xf32, #tpu.memory_space<vmem>>, vector<16xf32>,
        %get3A_290 = arith.index_cast %scan3A_258 : i32 to index
        %get3A_291 = arith.constant 64 : index
        %get3A_292 = tpu.vector_load %arg9[%get3A_290, %get3A_291] {strides = array<i32>} : memref<16x256xf32, #tpu.memory_space<vmem>>, vector<16xf32>,
        %mul3A_293 = arith.mulf %get3A_289, %get3A_292 : vector<16xf32>
        %get3A_294 = arith.index_cast %scan3A_258 : i32 to index
        %get3A_295 = arith.constant 80 : index
        %get3A_296 = tpu.vector_load %arg8[%get3A_294, %get3A_295] {strides = array<i32>} : memref<16x256xf32, #tpu.memory_space<vmem>>, vector<16xf32>,
        %get3A_297 = arith.index_cast %scan3A_258 : i32 to index
        %get3A_298 = arith.constant 80 : index
        %get3A_299 = tpu.vector_load %arg9[%get3A_297, %get3A_298] {strides = array<i32>} : memref<16x256xf32, #tpu.memory_space<vmem>>, vector<16xf32>,
        %mul3A_300 = arith.mulf %get3A_296, %get3A_299 : vector<16xf32>
        %get3A_301 = arith.index_cast %scan3A_258 : i32 to index
        %get3A_302 = arith.constant 96 : index
        %get3A_303 = tpu.vector_load %arg8[%get3A_301, %get3A_302] {strides = array<i32>} : memref<16x256xf32, #tpu.memory_space<vmem>>, vector<16xf32>,
        %get3A_304 = arith.index_cast %scan3A_258 : i32 to index
        %get3A_305 = arith.constant 96 : index
        %get3A_306 = tpu.vector_load %arg9[%get3A_304, %get3A_305] {strides = array<i32>} : memref<16x256xf32, #tpu.memory_space<vmem>>, vector<16xf32>,
        %mul3A_307 = arith.mulf %get3A_303, %get3A_306 : vector<16xf32>
        %get3A_308 = arith.index_cast %scan3A_258 : i32 to index
        %get3A_309 = arith.constant 112 : index
        %get3A_310 = tpu.vector_load %arg8[%get3A_308, %get3A_309] {strides = array<i32>} : memref<16x256xf32, #tpu.memory_space<vmem>>, vector<16xf32>,
        %get3A_311 = arith.index_cast %scan3A_258 : i32 to index
        %get3A_312 = arith.constant 112 : index
        %get3A_313 = tpu.vector_load %arg9[%get3A_311, %get3A_312] {strides = array<i32>} : memref<16x256xf32, #tpu.memory_space<vmem>>, vector<16xf32>,
        %mul3A_314 = arith.mulf %get3A_310, %get3A_313 : vector<16xf32>
        %get3A_315 = arith.index_cast %scan3A_258 : i32 to index
        %get3A_316 = arith.constant 128 : index
        %get3A_317 = tpu.vector_load %arg8[%get3A_315, %get3A_316] {strides = array<i32>} : memref<16x256xf32, #tpu.memory_space<vmem>>, vector<16xf32>,
        %get3A_318 = arith.index_cast %scan3A_258 : i32 to index
        %get3A_319 = arith.constant 128 : index
        %get3A_320 = tpu.vector_load %arg9[%get3A_318, %get3A_319] {strides = array<i32>} : memref<16x256xf32, #tpu.memory_space<vmem>>, vector<16xf32>,
        %mul3A_321 = arith.mulf %get3A_317, %get3A_320 : vector<16xf32>
        %get3A_322 = arith.index_cast %scan3A_258 : i32 to index
        %get3A_323 = arith.constant 144 : index
        %get3A_324 = tpu.vector_load %arg8[%get3A_322, %get3A_323] {strides = array<i32>} : memref<16x256xf32, #tpu.memory_space<vmem>>, vector<16xf32>,
        %get3A_325 = arith.index_cast %scan3A_258 : i32 to index
        %get3A_326 = arith.constant 144 : index
        %get3A_327 = tpu.vector_load %arg9[%get3A_325, %get3A_326] {strides = array<i32>} : memref<16x256xf32, #tpu.memory_space<vmem>>, vector<16xf32>,
        %mul3A_328 = arith.mulf %get3A_324, %get3A_327 : vector<16xf32>
        %get3A_329 = arith.index_cast %scan3A_258 : i32 to index
        %get3A_330 = arith.constant 160 : index
        %get3A_331 = tpu.vector_load %arg8[%get3A_329, %get3A_330] {strides = array<i32>} : memref<16x256xf32, #tpu.memory_space<vmem>>, vector<16xf32>,
        %get3A_332 = arith.index_cast %scan3A_258 : i32 to index
        %get3A_333 = arith.constant 160 : index
        %get3A_334 = tpu.vector_load %arg9[%get3A_332, %get3A_333] {strides = array<i32>} : memref<16x256xf32, #tpu.memory_space<vmem>>, vector<16xf32>,
        %mul3A_335 = arith.mulf %get3A_331, %get3A_334 : vector<16xf32>
        %get3A_336 = arith.index_cast %scan3A_258 : i32 to index
        %get3A_337 = arith.constant 176 : index
        %get3A_338 = tpu.vector_load %arg8[%get3A_336, %get3A_337] {strides = array<i32>} : memref<16x256xf32, #tpu.memory_space<vmem>>, vector<16xf32>,
        %get3A_339 = arith.index_cast %scan3A_258 : i32 to index
        %get3A_340 = arith.constant 176 : index
        %get3A_341 = tpu.vector_load %arg9[%get3A_339, %get3A_340] {strides = array<i32>} : memref<16x256xf32, #tpu.memory_space<vmem>>, vector<16xf32>,
        %mul3A_342 = arith.mulf %get3A_338, %get3A_341 : vector<16xf32>
        %get3A_343 = arith.index_cast %scan3A_258 : i32 to index
        %get3A_344 = arith.constant 192 : index
        %get3A_345 = tpu.vector_load %arg8[%get3A_343, %get3A_344] {strides = array<i32>} : memref<16x256xf32, #tpu.memory_space<vmem>>, vector<16xf32>,
        %get3A_346 = arith.index_cast %scan3A_258 : i32 to index
        %get3A_347 = arith.constant 192 : index
        %get3A_348 = tpu.vector_load %arg9[%get3A_346, %get3A_347] {strides = array<i32>} : memref<16x256xf32, #tpu.memory_space<vmem>>, vector<16xf32>,
        %mul3A_349 = arith.mulf %get3A_345, %get3A_348 : vector<16xf32>
        %get3A_350 = arith.index_cast %scan3A_258 : i32 to index
        %get3A_351 = arith.constant 208 : index
        %get3A_352 = tpu.vector_load %arg8[%get3A_350, %get3A_351] {strides = array<i32>} : memref<16x256xf32, #tpu.memory_space<vmem>>, vector<16xf32>,
        %get3A_353 = arith.index_cast %scan3A_258 : i32 to index
        %get3A_354 = arith.constant 208 : index
        %get3A_355 = tpu.vector_load %arg9[%get3A_353, %get3A_354] {strides = array<i32>} : memref<16x256xf32, #tpu.memory_space<vmem>>, vector<16xf32>,
        %mul3A_356 = arith.mulf %get3A_352, %get3A_355 : vector<16xf32>
        %get3A_357 = arith.index_cast %scan3A_258 : i32 to index
        %get3A_358 = arith.constant 224 : index
        %get3A_359 = tpu.vector_load %arg8[%get3A_357, %get3A_358] {strides = array<i32>} : memref<16x256xf32, #tpu.memory_space<vmem>>, vector<16xf32>,
        %get3A_360 = arith.index_cast %scan3A_258 : i32 to index
        %get3A_361 = arith.constant 224 : index
        %get3A_362 = tpu.vector_load %arg9[%get3A_360, %get3A_361] {strides = array<i32>} : memref<16x256xf32, #tpu.memory_space<vmem>>, vector<16xf32>,
        %mul3A_363 = arith.mulf %get3A_359, %get3A_362 : vector<16xf32>
        %get3A_364 = arith.index_cast %scan3A_258 : i32 to index
        %get3A_365 = arith.constant 240 : index
        %get3A_366 = tpu.vector_load %arg8[%get3A_364, %get3A_365] {strides = array<i32>} : memref<16x256xf32, #tpu.memory_space<vmem>>, vector<16xf32>,
        %get3A_367 = arith.index_cast %scan3A_258 : i32 to index
        %get3A_368 = arith.constant 240 : index
        %get3A_369 = tpu.vector_load %arg9[%get3A_367, %get3A_368] {strides = array<i32>} : memref<16x256xf32, #tpu.memory_space<vmem>>, vector<16xf32>,
        %mul3A_370 = arith.mulf %get3A_366, %get3A_369 : vector<16xf32>
        %add3A_371 = arith.addf %mul3A_265, %mul3A_272 : vector<16xf32>
        %add3A_372 = arith.addf %mul3A_279, %mul3A_286 : vector<16xf32>
        %add3A_373 = arith.addf %mul3A_293, %mul3A_300 : vector<16xf32>
        %add3A_374 = arith.addf %mul3A_307, %mul3A_314 : vector<16xf32>
        %add3A_375 = arith.addf %mul3A_321, %mul3A_328 : vector<16xf32>
        %add3A_376 = arith.addf %mul3A_335, %mul3A_342 : vector<16xf32>
        %add3A_377 = arith.addf %mul3A_349, %mul3A_356 : vector<16xf32>
        %add3A_378 = arith.addf %mul3A_363, %mul3A_370 : vector<16xf32>
        %add3A_379 = arith.addf %add3A_371, %add3A_372 : vector<16xf32>
        %add3A_380 = arith.addf %add3A_373, %add3A_374 : vector<16xf32>
        %add3A_381 = arith.addf %add3A_375, %add3A_376 : vector<16xf32>
        %add3A_382 = arith.addf %add3A_377, %add3A_378 : vector<16xf32>
        %add3A_383 = arith.addf %add3A_379, %add3A_380 : vector<16xf32>
        %add3A_384 = arith.addf %add3A_381, %add3A_382 : vector<16xf32>
        %add3A_385 = arith.addf %add3A_383, %add3A_384 : vector<16xf32>
        %eq3A = vector.broadcast %scan3A_258 : i32 to vector<16xi32>
        %eq3A_386 = arith.cmpi eq, %iota3A, %eq3A : vector<16xi32>
        %reduce_sum3A = arith.constant true
        %reduce_sum3A_387 = vector.broadcast %reduce_sum3A : i1 to vector<16xi1>
        %reduce_sum3A_388 = tpu.scan <sum>, %add3A_385 masked %reduce_sum3A_387 : vector<16xf32>, vector<16xi1> -> vector<16xf32>
        %reduce_sum3A_389 = vector.extract %reduce_sum3A_388[15] : f32 from vector<16xf32>
        %broadcast_in_dim3A_390 = vector.broadcast %reduce_sum3A_389 : f32 to vector<16xf32>
        %select_n3A = arith.select %eq3A_386, %broadcast_in_dim3A_390, %scan3A_259 : vector<16xi1>, vector<16xf32>
        scf.yield %select_n3A : vector<16xf32>
      }
      %scan3A_148 = arith.constant 16 : i32
      %mul3A_149 = arith.constant 16 : i32
      %mul3A_150 = arith.muli %mul3A_126, %mul3A_149 : i32
      %swap3A_151 = arith.index_cast %mul3A_150 : i32 to index
      %swap3A_152 = tpu.vector_load %arg12[%swap3A_151] {strides = array<i32>} : memref<5008xf32, #tpu.memory_space<vmem>>, vector<16xf32>,
      tpu.vector_store %arg12[%swap3A_151], %scan3A_147 {strides = array<i32>} : memref<5008xf32, #tpu.memory_space<vmem>>, vector<16xf32>,
      %add3A_153 = arith.constant 2 : i32
      %add3A_154 = arith.addi %mul3A_126, %add3A_153 : i32
      %dma_start3A_155 = arith.constant 0 : i32
      %dma_start3A_156 = arith.constant 0 : i32
      %dma_start3A_157 = tpu.memref_slice %arg8[%dma_start3A_155, %dma_start3A_156] : memref<16x256xf32, #tpu.memory_space<vmem>> -> memref<8x256xf32, #tpu.memory_space<vmem>>
      %dma_start3A_158 = arith.constant 0 : i32
      %dma_start3A_159 = tpu.memref_slice %arg6[%add3A_154, %dma_start3A_158] : memref<314x16xi32, #tpu.memory_space<vmem>> -> memref<1x8xi32, #tpu.memory_space<vmem>>
      %dma_start3A_160 = tpu.memref_squeeze %dma_start3A_159 : memref<1x8xi32, #tpu.memory_space<vmem>> -> memref<8xi32, #tpu.memory_space<vmem>>
      %dma_start3A_161 = arith.constant 0 : i32
      %dma_start3A_162 = arith.constant 0 : i32
      %dma_start3A_163 = tpu.memref_slice %arg2[%dma_start3A_161, %dma_start3A_162] : memref<10000x256xf32, #tpu.memory_space<hbm>> -> memref<10000x256xf32, #tpu.memory_space<hbm>>
      tpu.enqueue_indirect_dma source(%dma_start3A_163 : memref<10000x256xf32, #tpu.memory_space<hbm>>) target(%dma_start3A_157 : memref<8x256xf32, #tpu.memory_space<vmem>>) offsets(%dma_start3A_160 : memref<8xi32, #tpu.memory_space<vmem>>) semaphore(%arg13 : memref<!tpu.dma_semaphore, #tpu.memory_space<semaphore_mem>>)
      %dma_start3A_164 = arith.constant 8 : i32
      %dma_start3A_165 = arith.constant 0 : i32
      %dma_start3A_166 = tpu.memref_slice %arg8[%dma_start3A_164, %dma_start3A_165] : memref<16x256xf32, #tpu.memory_space<vmem>> -> memref<8x256xf32, #tpu.memory_space<vmem>>
      %dma_start3A_167 = arith.constant 8 : i32
      %dma_start3A_168 = tpu.memref_slice %arg6[%add3A_154, %dma_start3A_167] : memref<314x16xi32, #tpu.memory_space<vmem>> -> memref<1x8xi32, #tpu.memory_space<vmem>>
      %dma_start3A_169 = tpu.memref_squeeze %dma_start3A_168 : memref<1x8xi32, #tpu.memory_space<vmem>> -> memref<8xi32, #tpu.memory_space<vmem>>
      %dma_start3A_170 = arith.constant 0 : i32
      %dma_start3A_171 = arith.constant 0 : i32
      %dma_start3A_172 = tpu.memref_slice %arg2[%dma_start3A_170, %dma_start3A_171] : memref<10000x256xf32, #tpu.memory_space<hbm>> -> memref<10000x256xf32, #tpu.memory_space<hbm>>
      tpu.enqueue_indirect_dma source(%dma_start3A_172 : memref<10000x256xf32, #tpu.memory_space<hbm>>) target(%dma_start3A_166 : memref<8x256xf32, #tpu.memory_space<vmem>>) offsets(%dma_start3A_169 : memref<8xi32, #tpu.memory_space<vmem>>) semaphore(%arg13 : memref<!tpu.dma_semaphore, #tpu.memory_space<semaphore_mem>>)
      %dma_start3A_173 = arith.constant 0 : i32
      %dma_start3A_174 = arith.constant 0 : i32
      %dma_start3A_175 = tpu.memref_slice %arg9[%dma_start3A_173, %dma_start3A_174] : memref<16x256xf32, #tpu.memory_space<vmem>> -> memref<8x256xf32, #tpu.memory_space<vmem>>
      %dma_start3A_176 = arith.constant 0 : i32
      %dma_start3A_177 = tpu.memref_slice %arg7[%add3A_154, %dma_start3A_176] : memref<314x16xi32, #tpu.memory_space<vmem>> -> memref<1x8xi32, #tpu.memory_space<vmem>>
      %dma_start3A_178 = tpu.memref_squeeze %dma_start3A_177 : memref<1x8xi32, #tpu.memory_space<vmem>> -> memref<8xi32, #tpu.memory_space<vmem>>
      %dma_start3A_179 = arith.constant 0 : i32
      %dma_start3A_180 = arith.constant 0 : i32
      %dma_start3A_181 = tpu.memref_slice %arg2[%dma_start3A_179, %dma_start3A_180] : memref<10000x256xf32, #tpu.memory_space<hbm>> -> memref<10000x256xf32, #tpu.memory_space<hbm>>
      tpu.enqueue_indirect_dma source(%dma_start3A_181 : memref<10000x256xf32, #tpu.memory_space<hbm>>) target(%dma_start3A_175 : memref<8x256xf32, #tpu.memory_space<vmem>>) offsets(%dma_start3A_178 : memref<8xi32, #tpu.memory_space<vmem>>) semaphore(%arg13 : memref<!tpu.dma_semaphore, #tpu.memory_space<semaphore_mem>>)
      %dma_start3A_182 = arith.constant 8 : i32
      %dma_start3A_183 = arith.constant 0 : i32
      %dma_start3A_184 = tpu.memref_slice %arg9[%dma_start3A_182, %dma_start3A_183] : memref<16x256xf32, #tpu.memory_space<vmem>> -> memref<8x256xf32, #tpu.memory_space<vmem>>
      %dma_start3A_185 = arith.constant 8 : i32
      %dma_start3A_186 = tpu.memref_slice %arg7[%add3A_154, %dma_start3A_185] : memref<314x16xi32, #tpu.memory_space<vmem>> -> memref<1x8xi32, #tpu.memory_space<vmem>>
      %dma_start3A_187 = tpu.memref_squeeze %dma_start3A_186 : memref<1x8xi32, #tpu.memory_space<vmem>> -> memref<8xi32, #tpu.memory_space<vmem>>
      %dma_start3A_188 = arith.constant 0 : i32
      %dma_start3A_189 = arith.constant 0 : i32
      %dma_start3A_190 = tpu.memref_slice %arg2[%dma_start3A_188, %dma_start3A_189] : memref<10000x256xf32, #tpu.memory_space<hbm>> -> memref<10000x256xf32, #tpu.memory_space<hbm>>
      tpu.enqueue_indirect_dma source(%dma_start3A_190 : memref<10000x256xf32, #tpu.memory_space<hbm>>) target(%dma_start3A_184 : memref<8x256xf32, #tpu.memory_space<vmem>>) offsets(%dma_start3A_187 : memref<8xi32, #tpu.memory_space<vmem>>) semaphore(%arg13 : memref<!tpu.dma_semaphore, #tpu.memory_space<semaphore_mem>>)
      %dma_wait3A_191 = arith.constant 0 : i32
      %dma_wait3A_192 = arith.constant 0 : i32
      %dma_wait3A_193 = tpu.memref_slice %arg6[%dma_wait3A_191, %dma_wait3A_192] : memref<314x16xi32, #tpu.memory_space<vmem>> -> memref<1x16xi32, #tpu.memory_space<vmem>>
      %dma_wait3A_194 = tpu.memref_squeeze %dma_wait3A_193 : memref<1x16xi32, #tpu.memory_space<vmem>> -> memref<16xi32, #tpu.memory_space<vmem>>
      %dma_wait3A_195 = arith.constant 0 : i32
      %dma_wait3A_196 = arith.constant 0 : i32
      %dma_wait3A_197 = tpu.memref_slice %arg2[%dma_wait3A_195, %dma_wait3A_196] : memref<10000x256xf32, #tpu.memory_space<hbm>> -> memref<10000x256xf32, #tpu.memory_space<hbm>>
      tpu.wait_indirect_dma semaphore(%arg14 : memref<!tpu.dma_semaphore, #tpu.memory_space<semaphore_mem>>) src(%dma_wait3A_197 : memref<10000x256xf32, #tpu.memory_space<hbm>>) dst(%arg10 : memref<16x256xf32, #tpu.memory_space<vmem>>)
      %dma_wait3A_198 = arith.constant 0 : i32
      %dma_wait3A_199 = arith.constant 0 : i32
      %dma_wait3A_200 = tpu.memref_slice %arg6[%dma_wait3A_198, %dma_wait3A_199] : memref<314x16xi32, #tpu.memory_space<vmem>> -> memref<1x16xi32, #tpu.memory_space<vmem>>
      %dma_wait3A_201 = tpu.memref_squeeze %dma_wait3A_200 : memref<1x16xi32, #tpu.memory_space<vmem>> -> memref<16xi32, #tpu.memory_space<vmem>>
      %dma_wait3A_202 = arith.constant 0 : i32
      %dma_wait3A_203 = arith.constant 0 : i32
      %dma_wait3A_204 = tpu.memref_slice %arg2[%dma_wait3A_202, %dma_wait3A_203] : memref<10000x256xf32, #tpu.memory_space<hbm>> -> memref<10000x256xf32, #tpu.memory_space<hbm>>
      tpu.wait_indirect_dma semaphore(%arg14 : memref<!tpu.dma_semaphore, #tpu.memory_space<semaphore_mem>>) src(%dma_wait3A_204 : memref<10000x256xf32, #tpu.memory_space<hbm>>) dst(%arg11 : memref<16x256xf32, #tpu.memory_space<vmem>>)
      %add3A_205 = arith.constant 1 : i32
      %add3A_206 = arith.addi %mul3A_126, %add3A_205 : i32
      %broadcast_in_dim3A_207 = arith.constant 0.000000e+00 : f32
      %broadcast_in_dim3A_208 = vector.broadcast %broadcast_in_dim3A_207 : f32 to vector<16xf32>
      %scan3A_209 = arith.constant 0 : i32
      %scan3A_210 = arith.constant 16 : i32
      %scan3A_211 = arith.addi %scan3A_209, %scan3A_210 : i32
      %scan3A_212 = arith.constant 1 : i32
      %scan3A_213 = scf.for %scan3A_258 = %scan3A_209 to %scan3A_211 step %scan3A_212 iter_args(%scan3A_259 = %broadcast_in_dim3A_208) -> (vector<16xf32>)  : i32 {
        %get3A = arith.index_cast %scan3A_258 : i32 to index
        %get3A_260 = arith.constant 0 : index
        %get3A_261 = tpu.vector_load %arg10[%get3A, %get3A_260] {strides = array<i32>} : memref<16x256xf32, #tpu.memory_space<vmem>>, vector<16xf32>,
        %get3A_262 = arith.index_cast %scan3A_258 : i32 to index
        %get3A_263 = arith.constant 0 : index
        %get3A_264 = tpu.vector_load %arg11[%get3A_262, %get3A_263] {strides = array<i32>} : memref<16x256xf32, #tpu.memory_space<vmem>>, vector<16xf32>,
        %mul3A_265 = arith.mulf %get3A_261, %get3A_264 : vector<16xf32>
        %get3A_266 = arith.index_cast %scan3A_258 : i32 to index
        %get3A_267 = arith.constant 16 : index
        %get3A_268 = tpu.vector_load %arg10[%get3A_266, %get3A_267] {strides = array<i32>} : memref<16x256xf32, #tpu.memory_space<vmem>>, vector<16xf32>,
        %get3A_269 = arith.index_cast %scan3A_258 : i32 to index
        %get3A_270 = arith.constant 16 : index
        %get3A_271 = tpu.vector_load %arg11[%get3A_269, %get3A_270] {strides = array<i32>} : memref<16x256xf32, #tpu.memory_space<vmem>>, vector<16xf32>,
        %mul3A_272 = arith.mulf %get3A_268, %get3A_271 : vector<16xf32>
        %get3A_273 = arith.index_cast %scan3A_258 : i32 to index
        %get3A_274 = arith.constant 32 : index
        %get3A_275 = tpu.vector_load %arg10[%get3A_273, %get3A_274] {strides = array<i32>} : memref<16x256xf32, #tpu.memory_space<vmem>>, vector<16xf32>,
        %get3A_276 = arith.index_cast %scan3A_258 : i32 to index
        %get3A_277 = arith.constant 32 : index
        %get3A_278 = tpu.vector_load %arg11[%get3A_276, %get3A_277] {strides = array<i32>} : memref<16x256xf32, #tpu.memory_space<vmem>>, vector<16xf32>,
        %mul3A_279 = arith.mulf %get3A_275, %get3A_278 : vector<16xf32>
        %get3A_280 = arith.index_cast %scan3A_258 : i32 to index
        %get3A_281 = arith.constant 48 : index
        %get3A_282 = tpu.vector_load %arg10[%get3A_280, %get3A_281] {strides = array<i32>} : memref<16x256xf32, #tpu.memory_space<vmem>>, vector<16xf32>,
        %get3A_283 = arith.index_cast %scan3A_258 : i32 to index
        %get3A_284 = arith.constant 48 : index
        %get3A_285 = tpu.vector_load %arg11[%get3A_283, %get3A_284] {strides = array<i32>} : memref<16x256xf32, #tpu.memory_space<vmem>>, vector<16xf32>,
        %mul3A_286 = arith.mulf %get3A_282, %get3A_285 : vector<16xf32>
        %get3A_287 = arith.index_cast %scan3A_258 : i32 to index
        %get3A_288 = arith.constant 64 : index
        %get3A_289 = tpu.vector_load %arg10[%get3A_287, %get3A_288] {strides = array<i32>} : memref<16x256xf32, #tpu.memory_space<vmem>>, vector<16xf32>,
        %get3A_290 = arith.index_cast %scan3A_258 : i32 to index
        %get3A_291 = arith.constant 64 : index
        %get3A_292 = tpu.vector_load %arg11[%get3A_290, %get3A_291] {strides = array<i32>} : memref<16x256xf32, #tpu.memory_space<vmem>>, vector<16xf32>,
        %mul3A_293 = arith.mulf %get3A_289, %get3A_292 : vector<16xf32>
        %get3A_294 = arith.index_cast %scan3A_258 : i32 to index
        %get3A_295 = arith.constant 80 : index
        %get3A_296 = tpu.vector_load %arg10[%get3A_294, %get3A_295] {strides = array<i32>} : memref<16x256xf32, #tpu.memory_space<vmem>>, vector<16xf32>,
        %get3A_297 = arith.index_cast %scan3A_258 : i32 to index
        %get3A_298 = arith.constant 80 : index
        %get3A_299 = tpu.vector_load %arg11[%get3A_297, %get3A_298] {strides = array<i32>} : memref<16x256xf32, #tpu.memory_space<vmem>>, vector<16xf32>,
        %mul3A_300 = arith.mulf %get3A_296, %get3A_299 : vector<16xf32>
        %get3A_301 = arith.index_cast %scan3A_258 : i32 to index
        %get3A_302 = arith.constant 96 : index
        %get3A_303 = tpu.vector_load %arg10[%get3A_301, %get3A_302] {strides = array<i32>} : memref<16x256xf32, #tpu.memory_space<vmem>>, vector<16xf32>,
        %get3A_304 = arith.index_cast %scan3A_258 : i32 to index
        %get3A_305 = arith.constant 96 : index
        %get3A_306 = tpu.vector_load %arg11[%get3A_304, %get3A_305] {strides = array<i32>} : memref<16x256xf32, #tpu.memory_space<vmem>>, vector<16xf32>,
        %mul3A_307 = arith.mulf %get3A_303, %get3A_306 : vector<16xf32>
        %get3A_308 = arith.index_cast %scan3A_258 : i32 to index
        %get3A_309 = arith.constant 112 : index
        %get3A_310 = tpu.vector_load %arg10[%get3A_308, %get3A_309] {strides = array<i32>} : memref<16x256xf32, #tpu.memory_space<vmem>>, vector<16xf32>,
        %get3A_311 = arith.index_cast %scan3A_258 : i32 to index
        %get3A_312 = arith.constant 112 : index
        %get3A_313 = tpu.vector_load %arg11[%get3A_311, %get3A_312] {strides = array<i32>} : memref<16x256xf32, #tpu.memory_space<vmem>>, vector<16xf32>,
        %mul3A_314 = arith.mulf %get3A_310, %get3A_313 : vector<16xf32>
        %get3A_315 = arith.index_cast %scan3A_258 : i32 to index
        %get3A_316 = arith.constant 128 : index
        %get3A_317 = tpu.vector_load %arg10[%get3A_315, %get3A_316] {strides = array<i32>} : memref<16x256xf32, #tpu.memory_space<vmem>>, vector<16xf32>,
        %get3A_318 = arith.index_cast %scan3A_258 : i32 to index
        %get3A_319 = arith.constant 128 : index
        %get3A_320 = tpu.vector_load %arg11[%get3A_318, %get3A_319] {strides = array<i32>} : memref<16x256xf32, #tpu.memory_space<vmem>>, vector<16xf32>,
        %mul3A_321 = arith.mulf %get3A_317, %get3A_320 : vector<16xf32>
        %get3A_322 = arith.index_cast %scan3A_258 : i32 to index
        %get3A_323 = arith.constant 144 : index
        %get3A_324 = tpu.vector_load %arg10[%get3A_322, %get3A_323] {strides = array<i32>} : memref<16x256xf32, #tpu.memory_space<vmem>>, vector<16xf32>,
        %get3A_325 = arith.index_cast %scan3A_258 : i32 to index
        %get3A_326 = arith.constant 144 : index
        %get3A_327 = tpu.vector_load %arg11[%get3A_325, %get3A_326] {strides = array<i32>} : memref<16x256xf32, #tpu.memory_space<vmem>>, vector<16xf32>,
        %mul3A_328 = arith.mulf %get3A_324, %get3A_327 : vector<16xf32>
        %get3A_329 = arith.index_cast %scan3A_258 : i32 to index
        %get3A_330 = arith.constant 160 : index
        %get3A_331 = tpu.vector_load %arg10[%get3A_329, %get3A_330] {strides = array<i32>} : memref<16x256xf32, #tpu.memory_space<vmem>>, vector<16xf32>,
        %get3A_332 = arith.index_cast %scan3A_258 : i32 to index
        %get3A_333 = arith.constant 160 : index
        %get3A_334 = tpu.vector_load %arg11[%get3A_332, %get3A_333] {strides = array<i32>} : memref<16x256xf32, #tpu.memory_space<vmem>>, vector<16xf32>,
        %mul3A_335 = arith.mulf %get3A_331, %get3A_334 : vector<16xf32>
        %get3A_336 = arith.index_cast %scan3A_258 : i32 to index
        %get3A_337 = arith.constant 176 : index
        %get3A_338 = tpu.vector_load %arg10[%get3A_336, %get3A_337] {strides = array<i32>} : memref<16x256xf32, #tpu.memory_space<vmem>>, vector<16xf32>,
        %get3A_339 = arith.index_cast %scan3A_258 : i32 to index
        %get3A_340 = arith.constant 176 : index
        %get3A_341 = tpu.vector_load %arg11[%get3A_339, %get3A_340] {strides = array<i32>} : memref<16x256xf32, #tpu.memory_space<vmem>>, vector<16xf32>,
        %mul3A_342 = arith.mulf %get3A_338, %get3A_341 : vector<16xf32>
        %get3A_343 = arith.index_cast %scan3A_258 : i32 to index
        %get3A_344 = arith.constant 192 : index
        %get3A_345 = tpu.vector_load %arg10[%get3A_343, %get3A_344] {strides = array<i32>} : memref<16x256xf32, #tpu.memory_space<vmem>>, vector<16xf32>,
        %get3A_346 = arith.index_cast %scan3A_258 : i32 to index
        %get3A_347 = arith.constant 192 : index
        %get3A_348 = tpu.vector_load %arg11[%get3A_346, %get3A_347] {strides = array<i32>} : memref<16x256xf32, #tpu.memory_space<vmem>>, vector<16xf32>,
        %mul3A_349 = arith.mulf %get3A_345, %get3A_348 : vector<16xf32>
        %get3A_350 = arith.index_cast %scan3A_258 : i32 to index
        %get3A_351 = arith.constant 208 : index
        %get3A_352 = tpu.vector_load %arg10[%get3A_350, %get3A_351] {strides = array<i32>} : memref<16x256xf32, #tpu.memory_space<vmem>>, vector<16xf32>,
        %get3A_353 = arith.index_cast %scan3A_258 : i32 to index
        %get3A_354 = arith.constant 208 : index
        %get3A_355 = tpu.vector_load %arg11[%get3A_353, %get3A_354] {strides = array<i32>} : memref<16x256xf32, #tpu.memory_space<vmem>>, vector<16xf32>,
        %mul3A_356 = arith.mulf %get3A_352, %get3A_355 : vector<16xf32>
        %get3A_357 = arith.index_cast %scan3A_258 : i32 to index
        %get3A_358 = arith.constant 224 : index
        %get3A_359 = tpu.vector_load %arg10[%get3A_357, %get3A_358] {strides = array<i32>} : memref<16x256xf32, #tpu.memory_space<vmem>>, vector<16xf32>,
        %get3A_360 = arith.index_cast %scan3A_258 : i32 to index
        %get3A_361 = arith.constant 224 : index
        %get3A_362 = tpu.vector_load %arg11[%get3A_360, %get3A_361] {strides = array<i32>} : memref<16x256xf32, #tpu.memory_space<vmem>>, vector<16xf32>,
        %mul3A_363 = arith.mulf %get3A_359, %get3A_362 : vector<16xf32>
        %get3A_364 = arith.index_cast %scan3A_258 : i32 to index
        %get3A_365 = arith.constant 240 : index
        %get3A_366 = tpu.vector_load %arg10[%get3A_364, %get3A_365] {strides = array<i32>} : memref<16x256xf32, #tpu.memory_space<vmem>>, vector<16xf32>,
        %get3A_367 = arith.index_cast %scan3A_258 : i32 to index
        %get3A_368 = arith.constant 240 : index
        %get3A_369 = tpu.vector_load %arg11[%get3A_367, %get3A_368] {strides = array<i32>} : memref<16x256xf32, #tpu.memory_space<vmem>>, vector<16xf32>,
        %mul3A_370 = arith.mulf %get3A_366, %get3A_369 : vector<16xf32>
        %add3A_371 = arith.addf %mul3A_265, %mul3A_272 : vector<16xf32>
        %add3A_372 = arith.addf %mul3A_279, %mul3A_286 : vector<16xf32>
        %add3A_373 = arith.addf %mul3A_293, %mul3A_300 : vector<16xf32>
        %add3A_374 = arith.addf %mul3A_307, %mul3A_314 : vector<16xf32>
        %add3A_375 = arith.addf %mul3A_321, %mul3A_328 : vector<16xf32>
        %add3A_376 = arith.addf %mul3A_335, %mul3A_342 : vector<16xf32>
        %add3A_377 = arith.addf %mul3A_349, %mul3A_356 : vector<16xf32>
        %add3A_378 = arith.addf %mul3A_363, %mul3A_370 : vector<16xf32>
        %add3A_379 = arith.addf %add3A_371, %add3A_372 : vector<16xf32>
        %add3A_380 = arith.addf %add3A_373, %add3A_374 : vector<16xf32>
        %add3A_381 = arith.addf %add3A_375, %add3A_376 : vector<16xf32>
        %add3A_382 = arith.addf %add3A_377, %add3A_378 : vector<16xf32>
        %add3A_383 = arith.addf %add3A_379, %add3A_380 : vector<16xf32>
        %add3A_384 = arith.addf %add3A_381, %add3A_382 : vector<16xf32>
        %add3A_385 = arith.addf %add3A_383, %add3A_384 : vector<16xf32>
        %eq3A = vector.broadcast %scan3A_258 : i32 to vector<16xi32>
        %eq3A_386 = arith.cmpi eq, %iota3A, %eq3A : vector<16xi32>
        %reduce_sum3A = arith.constant true
        %reduce_sum3A_387 = vector.broadcast %reduce_sum3A : i1 to vector<16xi1>
        %reduce_sum3A_388 = tpu.scan <sum>, %add3A_385 masked %reduce_sum3A_387 : vector<16xf32>, vector<16xi1> -> vector<16xf32>
        %reduce_sum3A_389 = vector.extract %reduce_sum3A_388[15] : f32 from vector<16xf32>
        %broadcast_in_dim3A_390 = vector.broadcast %reduce_sum3A_389 : f32 to vector<16xf32>
        %select_n3A = arith.select %eq3A_386, %broadcast_in_dim3A_390, %scan3A_259 : vector<16xi1>, vector<16xf32>
        scf.yield %select_n3A : vector<16xf32>
      }
      %scan3A_214 = arith.constant 16 : i32
      %mul3A_215 = arith.constant 16 : i32
      %mul3A_216 = arith.muli %add3A_206, %mul3A_215 : i32
      %swap3A_217 = arith.index_cast %mul3A_216 : i32 to index
      %swap3A_218 = tpu.vector_load %arg12[%swap3A_217] {strides = array<i32>} : memref<5008xf32, #tpu.memory_space<vmem>>, vector<16xf32>,
      tpu.vector_store %arg12[%swap3A_217], %scan3A_213 {strides = array<i32>} : memref<5008xf32, #tpu.memory_space<vmem>>, vector<16xf32>,
      %add3A_219 = arith.constant 3 : i32
      %add3A_220 = arith.addi %mul3A_126, %add3A_219 : i32
      %dma_start3A_221 = arith.constant 0 : i32
      %dma_start3A_222 = arith.constant 0 : i32
      %dma_start3A_223 = tpu.memref_slice %arg10[%dma_start3A_221, %dma_start3A_222] : memref<16x256xf32, #tpu.memory_space<vmem>> -> memref<8x256xf32, #tpu.memory_space<vmem>>
      %dma_start3A_224 = arith.constant 0 : i32
      %dma_start3A_225 = tpu.memref_slice %arg6[%add3A_220, %dma_start3A_224] : memref<314x16xi32, #tpu.memory_space<vmem>> -> memref<1x8xi32, #tpu.memory_space<vmem>>
      %dma_start3A_226 = tpu.memref_squeeze %dma_start3A_225 : memref<1x8xi32, #tpu.memory_space<vmem>> -> memref<8xi32, #tpu.memory_space<vmem>>
      %dma_start3A_227 = arith.constant 0 : i32
      %dma_start3A_228 = arith.constant 0 : i32
      %dma_start3A_229 = tpu.memref_slice %arg2[%dma_start3A_227, %dma_start3A_228] : memref<10000x256xf32, #tpu.memory_space<hbm>> -> memref<10000x256xf32, #tpu.memory_space<hbm>>
      tpu.enqueue_indirect_dma source(%dma_start3A_229 : memref<10000x256xf32, #tpu.memory_space<hbm>>) target(%dma_start3A_223 : memref<8x256xf32, #tpu.memory_space<vmem>>) offsets(%dma_start3A_226 : memref<8xi32, #tpu.memory_space<vmem>>) semaphore(%arg14 : memref<!tpu.dma_semaphore, #tpu.memory_space<semaphore_mem>>)
      %dma_start3A_230 = arith.constant 8 : i32
      %dma_start3A_231 = arith.constant 0 : i32
      %dma_start3A_232 = tpu.memref_slice %arg10[%dma_start3A_230, %dma_start3A_231] : memref<16x256xf32, #tpu.memory_space<vmem>> -> memref<8x256xf32, #tpu.memory_space<vmem>>
      %dma_start3A_233 = arith.constant 8 : i32
      %dma_start3A_234 = tpu.memref_slice %arg6[%add3A_220, %dma_start3A_233] : memref<314x16xi32, #tpu.memory_space<vmem>> -> memref<1x8xi32, #tpu.memory_space<vmem>>
      %dma_start3A_235 = tpu.memref_squeeze %dma_start3A_234 : memref<1x8xi32, #tpu.memory_space<vmem>> -> memref<8xi32, #tpu.memory_space<vmem>>
      %dma_start3A_236 = arith.constant 0 : i32
      %dma_start3A_237 = arith.constant 0 : i32
      %dma_start3A_238 = tpu.memref_slice %arg2[%dma_start3A_236, %dma_start3A_237] : memref<10000x256xf32, #tpu.memory_space<hbm>> -> memref<10000x256xf32, #tpu.memory_space<hbm>>
      tpu.enqueue_indirect_dma source(%dma_start3A_238 : memref<10000x256xf32, #tpu.memory_space<hbm>>) target(%dma_start3A_232 : memref<8x256xf32, #tpu.memory_space<vmem>>) offsets(%dma_start3A_235 : memref<8xi32, #tpu.memory_space<vmem>>) semaphore(%arg14 : memref<!tpu.dma_semaphore, #tpu.memory_space<semaphore_mem>>)
      %dma_start3A_239 = arith.constant 0 : i32
      %dma_start3A_240 = arith.constant 0 : i32
      %dma_start3A_241 = tpu.memref_slice %arg11[%dma_start3A_239, %dma_start3A_240] : memref<16x256xf32, #tpu.memory_space<vmem>> -> memref<8x256xf32, #tpu.memory_space<vmem>>
      %dma_start3A_242 = arith.constant 0 : i32
      %dma_start3A_243 = tpu.memref_slice %arg7[%add3A_220, %dma_start3A_242] : memref<314x16xi32, #tpu.memory_space<vmem>> -> memref<1x8xi32, #tpu.memory_space<vmem>>
      %dma_start3A_244 = tpu.memref_squeeze %dma_start3A_243 : memref<1x8xi32, #tpu.memory_space<vmem>> -> memref<8xi32, #tpu.memory_space<vmem>>
      %dma_start3A_245 = arith.constant 0 : i32
      %dma_start3A_246 = arith.constant 0 : i32
      %dma_start3A_247 = tpu.memref_slice %arg2[%dma_start3A_245, %dma_start3A_246] : memref<10000x256xf32, #tpu.memory_space<hbm>> -> memref<10000x256xf32, #tpu.memory_space<hbm>>
      tpu.enqueue_indirect_dma source(%dma_start3A_247 : memref<10000x256xf32, #tpu.memory_space<hbm>>) target(%dma_start3A_241 : memref<8x256xf32, #tpu.memory_space<vmem>>) offsets(%dma_start3A_244 : memref<8xi32, #tpu.memory_space<vmem>>) semaphore(%arg14 : memref<!tpu.dma_semaphore, #tpu.memory_space<semaphore_mem>>)
      %dma_start3A_248 = arith.constant 8 : i32
      %dma_start3A_249 = arith.constant 0 : i32
      %dma_start3A_250 = tpu.memref_slice %arg11[%dma_start3A_248, %dma_start3A_249] : memref<16x256xf32, #tpu.memory_space<vmem>> -> memref<8x256xf32, #tpu.memory_space<vmem>>
      %dma_start3A_251 = arith.constant 8 : i32
      %dma_start3A_252 = tpu.memref_slice %arg7[%add3A_220, %dma_start3A_251] : memref<314x16xi32, #tpu.memory_space<vmem>> -> memref<1x8xi32, #tpu.memory_space<vmem>>
      %dma_start3A_253 = tpu.memref_squeeze %dma_start3A_252 : memref<1x8xi32, #tpu.memory_space<vmem>> -> memref<8xi32, #tpu.memory_space<vmem>>
      %dma_start3A_254 = arith.constant 0 : i32
      %dma_start3A_255 = arith.constant 0 : i32
      %dma_start3A_256 = tpu.memref_slice %arg2[%dma_start3A_254, %dma_start3A_255] : memref<10000x256xf32, #tpu.memory_space<hbm>> -> memref<10000x256xf32, #tpu.memory_space<hbm>>
      tpu.enqueue_indirect_dma source(%dma_start3A_256 : memref<10000x256xf32, #tpu.memory_space<hbm>>) target(%dma_start3A_250 : memref<8x256xf32, #tpu.memory_space<vmem>>) offsets(%dma_start3A_253 : memref<8xi32, #tpu.memory_space<vmem>>) semaphore(%arg14 : memref<!tpu.dma_semaphore, #tpu.memory_space<semaphore_mem>>)
      %scan3A_257 = arith.constant 0 : i32
      scf.yield %scan3A_257 : i32
    }
    %scan3A_87 = arith.constant 156 : i32
    %dma_wait3A = arith.constant 0 : i32
    %dma_wait3A_88 = arith.constant 0 : i32
    %dma_wait3A_89 = tpu.memref_slice %arg6[%dma_wait3A, %dma_wait3A_88] : memref<314x16xi32, #tpu.memory_space<vmem>> -> memref<1x16xi32, #tpu.memory_space<vmem>>
    %dma_wait3A_90 = tpu.memref_squeeze %dma_wait3A_89 : memref<1x16xi32, #tpu.memory_space<vmem>> -> memref<16xi32, #tpu.memory_space<vmem>>
    %dma_wait3A_91 = arith.constant 0 : i32
    %dma_wait3A_92 = arith.constant 0 : i32
    %dma_wait3A_93 = tpu.memref_slice %arg2[%dma_wait3A_91, %dma_wait3A_92] : memref<10000x256xf32, #tpu.memory_space<hbm>> -> memref<10000x256xf32, #tpu.memory_space<hbm>>
    tpu.wait_indirect_dma semaphore(%arg13 : memref<!tpu.dma_semaphore, #tpu.memory_space<semaphore_mem>>) src(%dma_wait3A_93 : memref<10000x256xf32, #tpu.memory_space<hbm>>) dst(%arg8 : memref<16x256xf32, #tpu.memory_space<vmem>>)
    %dma_wait3A_94 = arith.constant 0 : i32
    %dma_wait3A_95 = arith.constant 0 : i32
    %dma_wait3A_96 = tpu.memref_slice %arg6[%dma_wait3A_94, %dma_wait3A_95] : memref<314x16xi32, #tpu.memory_space<vmem>> -> memref<1x16xi32, #tpu.memory_space<vmem>>
    %dma_wait3A_97 = tpu.memref_squeeze %dma_wait3A_96 : memref<1x16xi32, #tpu.memory_space<vmem>> -> memref<16xi32, #tpu.memory_space<vmem>>
    %dma_wait3A_98 = arith.constant 0 : i32
    %dma_wait3A_99 = arith.constant 0 : i32
    %dma_wait3A_100 = tpu.memref_slice %arg2[%dma_wait3A_98, %dma_wait3A_99] : memref<10000x256xf32, #tpu.memory_space<hbm>> -> memref<10000x256xf32, #tpu.memory_space<hbm>>
    tpu.wait_indirect_dma semaphore(%arg13 : memref<!tpu.dma_semaphore, #tpu.memory_space<semaphore_mem>>) src(%dma_wait3A_100 : memref<10000x256xf32, #tpu.memory_space<hbm>>) dst(%arg9 : memref<16x256xf32, #tpu.memory_space<vmem>>)
    %broadcast_in_dim3A = arith.constant 0.000000e+00 : f32
    %broadcast_in_dim3A_101 = vector.broadcast %broadcast_in_dim3A : f32 to vector<16xf32>
    %scan3A_102 = arith.constant 0 : i32
    %scan3A_103 = arith.constant 16 : i32
    %scan3A_104 = arith.addi %scan3A_102, %scan3A_103 : i32
    %scan3A_105 = arith.constant 1 : i32
    %scan3A_106 = scf.for %scan3A_123 = %scan3A_102 to %scan3A_104 step %scan3A_105 iter_args(%scan3A_124 = %broadcast_in_dim3A_101) -> (vector<16xf32>)  : i32 {
      %get3A = arith.index_cast %scan3A_123 : i32 to index
      %get3A_125 = arith.constant 0 : index
      %get3A_126 = tpu.vector_load %arg8[%get3A, %get3A_125] {strides = array<i32>} : memref<16x256xf32, #tpu.memory_space<vmem>>, vector<16xf32>,
      %get3A_127 = arith.index_cast %scan3A_123 : i32 to index
      %get3A_128 = arith.constant 0 : index
      %get3A_129 = tpu.vector_load %arg9[%get3A_127, %get3A_128] {strides = array<i32>} : memref<16x256xf32, #tpu.memory_space<vmem>>, vector<16xf32>,
      %mul3A_130 = arith.mulf %get3A_126, %get3A_129 : vector<16xf32>
      %get3A_131 = arith.index_cast %scan3A_123 : i32 to index
      %get3A_132 = arith.constant 16 : index
      %get3A_133 = tpu.vector_load %arg8[%get3A_131, %get3A_132] {strides = array<i32>} : memref<16x256xf32, #tpu.memory_space<vmem>>, vector<16xf32>,
      %get3A_134 = arith.index_cast %scan3A_123 : i32 to index
      %get3A_135 = arith.constant 16 : index
      %get3A_136 = tpu.vector_load %arg9[%get3A_134, %get3A_135] {strides = array<i32>} : memref<16x256xf32, #tpu.memory_space<vmem>>, vector<16xf32>,
      %mul3A_137 = arith.mulf %get3A_133, %get3A_136 : vector<16xf32>
      %get3A_138 = arith.index_cast %scan3A_123 : i32 to index
      %get3A_139 = arith.constant 32 : index
      %get3A_140 = tpu.vector_load %arg8[%get3A_138, %get3A_139] {strides = array<i32>} : memref<16x256xf32, #tpu.memory_space<vmem>>, vector<16xf32>,
      %get3A_141 = arith.index_cast %scan3A_123 : i32 to index
      %get3A_142 = arith.constant 32 : index
      %get3A_143 = tpu.vector_load %arg9[%get3A_141, %get3A_142] {strides = array<i32>} : memref<16x256xf32, #tpu.memory_space<vmem>>, vector<16xf32>,
      %mul3A_144 = arith.mulf %get3A_140, %get3A_143 : vector<16xf32>
      %get3A_145 = arith.index_cast %scan3A_123 : i32 to index
      %get3A_146 = arith.constant 48 : index
      %get3A_147 = tpu.vector_load %arg8[%get3A_145, %get3A_146] {strides = array<i32>} : memref<16x256xf32, #tpu.memory_space<vmem>>, vector<16xf32>,
      %get3A_148 = arith.index_cast %scan3A_123 : i32 to index
      %get3A_149 = arith.constant 48 : index
      %get3A_150 = tpu.vector_load %arg9[%get3A_148, %get3A_149] {strides = array<i32>} : memref<16x256xf32, #tpu.memory_space<vmem>>, vector<16xf32>,
      %mul3A_151 = arith.mulf %get3A_147, %get3A_150 : vector<16xf32>
      %get3A_152 = arith.index_cast %scan3A_123 : i32 to index
      %get3A_153 = arith.constant 64 : index
      %get3A_154 = tpu.vector_load %arg8[%get3A_152, %get3A_153] {strides = array<i32>} : memref<16x256xf32, #tpu.memory_space<vmem>>, vector<16xf32>,
      %get3A_155 = arith.index_cast %scan3A_123 : i32 to index
      %get3A_156 = arith.constant 64 : index
      %get3A_157 = tpu.vector_load %arg9[%get3A_155, %get3A_156] {strides = array<i32>} : memref<16x256xf32, #tpu.memory_space<vmem>>, vector<16xf32>,
      %mul3A_158 = arith.mulf %get3A_154, %get3A_157 : vector<16xf32>
      %get3A_159 = arith.index_cast %scan3A_123 : i32 to index
      %get3A_160 = arith.constant 80 : index
      %get3A_161 = tpu.vector_load %arg8[%get3A_159, %get3A_160] {strides = array<i32>} : memref<16x256xf32, #tpu.memory_space<vmem>>, vector<16xf32>,
      %get3A_162 = arith.index_cast %scan3A_123 : i32 to index
      %get3A_163 = arith.constant 80 : index
      %get3A_164 = tpu.vector_load %arg9[%get3A_162, %get3A_163] {strides = array<i32>} : memref<16x256xf32, #tpu.memory_space<vmem>>, vector<16xf32>,
      %mul3A_165 = arith.mulf %get3A_161, %get3A_164 : vector<16xf32>
      %get3A_166 = arith.index_cast %scan3A_123 : i32 to index
      %get3A_167 = arith.constant 96 : index
      %get3A_168 = tpu.vector_load %arg8[%get3A_166, %get3A_167] {strides = array<i32>} : memref<16x256xf32, #tpu.memory_space<vmem>>, vector<16xf32>,
      %get3A_169 = arith.index_cast %scan3A_123 : i32 to index
      %get3A_170 = arith.constant 96 : index
      %get3A_171 = tpu.vector_load %arg9[%get3A_169, %get3A_170] {strides = array<i32>} : memref<16x256xf32, #tpu.memory_space<vmem>>, vector<16xf32>,
      %mul3A_172 = arith.mulf %get3A_168, %get3A_171 : vector<16xf32>
      %get3A_173 = arith.index_cast %scan3A_123 : i32 to index
      %get3A_174 = arith.constant 112 : index
      %get3A_175 = tpu.vector_load %arg8[%get3A_173, %get3A_174] {strides = array<i32>} : memref<16x256xf32, #tpu.memory_space<vmem>>, vector<16xf32>,
      %get3A_176 = arith.index_cast %scan3A_123 : i32 to index
      %get3A_177 = arith.constant 112 : index
      %get3A_178 = tpu.vector_load %arg9[%get3A_176, %get3A_177] {strides = array<i32>} : memref<16x256xf32, #tpu.memory_space<vmem>>, vector<16xf32>,
      %mul3A_179 = arith.mulf %get3A_175, %get3A_178 : vector<16xf32>
      %get3A_180 = arith.index_cast %scan3A_123 : i32 to index
      %get3A_181 = arith.constant 128 : index
      %get3A_182 = tpu.vector_load %arg8[%get3A_180, %get3A_181] {strides = array<i32>} : memref<16x256xf32, #tpu.memory_space<vmem>>, vector<16xf32>,
      %get3A_183 = arith.index_cast %scan3A_123 : i32 to index
      %get3A_184 = arith.constant 128 : index
      %get3A_185 = tpu.vector_load %arg9[%get3A_183, %get3A_184] {strides = array<i32>} : memref<16x256xf32, #tpu.memory_space<vmem>>, vector<16xf32>,
      %mul3A_186 = arith.mulf %get3A_182, %get3A_185 : vector<16xf32>
      %get3A_187 = arith.index_cast %scan3A_123 : i32 to index
      %get3A_188 = arith.constant 144 : index
      %get3A_189 = tpu.vector_load %arg8[%get3A_187, %get3A_188] {strides = array<i32>} : memref<16x256xf32, #tpu.memory_space<vmem>>, vector<16xf32>,
      %get3A_190 = arith.index_cast %scan3A_123 : i32 to index
      %get3A_191 = arith.constant 144 : index
      %get3A_192 = tpu.vector_load %arg9[%get3A_190, %get3A_191] {strides = array<i32>} : memref<16x256xf32, #tpu.memory_space<vmem>>, vector<16xf32>,
      %mul3A_193 = arith.mulf %get3A_189, %get3A_192 : vector<16xf32>
      %get3A_194 = arith.index_cast %scan3A_123 : i32 to index
      %get3A_195 = arith.constant 160 : index
      %get3A_196 = tpu.vector_load %arg8[%get3A_194, %get3A_195] {strides = array<i32>} : memref<16x256xf32, #tpu.memory_space<vmem>>, vector<16xf32>,
      %get3A_197 = arith.index_cast %scan3A_123 : i32 to index
      %get3A_198 = arith.constant 160 : index
      %get3A_199 = tpu.vector_load %arg9[%get3A_197, %get3A_198] {strides = array<i32>} : memref<16x256xf32, #tpu.memory_space<vmem>>, vector<16xf32>,
      %mul3A_200 = arith.mulf %get3A_196, %get3A_199 : vector<16xf32>
      %get3A_201 = arith.index_cast %scan3A_123 : i32 to index
      %get3A_202 = arith.constant 176 : index
      %get3A_203 = tpu.vector_load %arg8[%get3A_201, %get3A_202] {strides = array<i32>} : memref<16x256xf32, #tpu.memory_space<vmem>>, vector<16xf32>,
      %get3A_204 = arith.index_cast %scan3A_123 : i32 to index
      %get3A_205 = arith.constant 176 : index
      %get3A_206 = tpu.vector_load %arg9[%get3A_204, %get3A_205] {strides = array<i32>} : memref<16x256xf32, #tpu.memory_space<vmem>>, vector<16xf32>,
      %mul3A_207 = arith.mulf %get3A_203, %get3A_206 : vector<16xf32>
      %get3A_208 = arith.index_cast %scan3A_123 : i32 to index
      %get3A_209 = arith.constant 192 : index
      %get3A_210 = tpu.vector_load %arg8[%get3A_208, %get3A_209] {strides = array<i32>} : memref<16x256xf32, #tpu.memory_space<vmem>>, vector<16xf32>,
      %get3A_211 = arith.index_cast %scan3A_123 : i32 to index
      %get3A_212 = arith.constant 192 : index
      %get3A_213 = tpu.vector_load %arg9[%get3A_211, %get3A_212] {strides = array<i32>} : memref<16x256xf32, #tpu.memory_space<vmem>>, vector<16xf32>,
      %mul3A_214 = arith.mulf %get3A_210, %get3A_213 : vector<16xf32>
      %get3A_215 = arith.index_cast %scan3A_123 : i32 to index
      %get3A_216 = arith.constant 208 : index
      %get3A_217 = tpu.vector_load %arg8[%get3A_215, %get3A_216] {strides = array<i32>} : memref<16x256xf32, #tpu.memory_space<vmem>>, vector<16xf32>,
      %get3A_218 = arith.index_cast %scan3A_123 : i32 to index
      %get3A_219 = arith.constant 208 : index
      %get3A_220 = tpu.vector_load %arg9[%get3A_218, %get3A_219] {strides = array<i32>} : memref<16x256xf32, #tpu.memory_space<vmem>>, vector<16xf32>,
      %mul3A_221 = arith.mulf %get3A_217, %get3A_220 : vector<16xf32>
      %get3A_222 = arith.index_cast %scan3A_123 : i32 to index
      %get3A_223 = arith.constant 224 : index
      %get3A_224 = tpu.vector_load %arg8[%get3A_222, %get3A_223] {strides = array<i32>} : memref<16x256xf32, #tpu.memory_space<vmem>>, vector<16xf32>,
      %get3A_225 = arith.index_cast %scan3A_123 : i32 to index
      %get3A_226 = arith.constant 224 : index
      %get3A_227 = tpu.vector_load %arg9[%get3A_225, %get3A_226] {strides = array<i32>} : memref<16x256xf32, #tpu.memory_space<vmem>>, vector<16xf32>,
      %mul3A_228 = arith.mulf %get3A_224, %get3A_227 : vector<16xf32>
      %get3A_229 = arith.index_cast %scan3A_123 : i32 to index
      %get3A_230 = arith.constant 240 : index
      %get3A_231 = tpu.vector_load %arg8[%get3A_229, %get3A_230] {strides = array<i32>} : memref<16x256xf32, #tpu.memory_space<vmem>>, vector<16xf32>,
      %get3A_232 = arith.index_cast %scan3A_123 : i32 to index
      %get3A_233 = arith.constant 240 : index
      %get3A_234 = tpu.vector_load %arg9[%get3A_232, %get3A_233] {strides = array<i32>} : memref<16x256xf32, #tpu.memory_space<vmem>>, vector<16xf32>,
      %mul3A_235 = arith.mulf %get3A_231, %get3A_234 : vector<16xf32>
      %add3A_236 = arith.addf %mul3A_130, %mul3A_137 : vector<16xf32>
      %add3A_237 = arith.addf %mul3A_144, %mul3A_151 : vector<16xf32>
      %add3A_238 = arith.addf %mul3A_158, %mul3A_165 : vector<16xf32>
      %add3A_239 = arith.addf %mul3A_172, %mul3A_179 : vector<16xf32>
      %add3A_240 = arith.addf %mul3A_186, %mul3A_193 : vector<16xf32>
      %add3A_241 = arith.addf %mul3A_200, %mul3A_207 : vector<16xf32>
      %add3A_242 = arith.addf %mul3A_214, %mul3A_221 : vector<16xf32>
      %add3A_243 = arith.addf %mul3A_228, %mul3A_235 : vector<16xf32>
      %add3A_244 = arith.addf %add3A_236, %add3A_237 : vector<16xf32>
      %add3A_245 = arith.addf %add3A_238, %add3A_239 : vector<16xf32>
      %add3A_246 = arith.addf %add3A_240, %add3A_241 : vector<16xf32>
      %add3A_247 = arith.addf %add3A_242, %add3A_243 : vector<16xf32>
      %add3A_248 = arith.addf %add3A_244, %add3A_245 : vector<16xf32>
      %add3A_249 = arith.addf %add3A_246, %add3A_247 : vector<16xf32>
      %add3A_250 = arith.addf %add3A_248, %add3A_249 : vector<16xf32>
      %eq3A = vector.broadcast %scan3A_123 : i32 to vector<16xi32>
      %eq3A_251 = arith.cmpi eq, %iota3A, %eq3A : vector<16xi32>
      %reduce_sum3A = arith.constant true
      %reduce_sum3A_252 = vector.broadcast %reduce_sum3A : i1 to vector<16xi1>
      %reduce_sum3A_253 = tpu.scan <sum>, %add3A_250 masked %reduce_sum3A_252 : vector<16xf32>, vector<16xi1> -> vector<16xf32>
      %reduce_sum3A_254 = vector.extract %reduce_sum3A_253[15] : f32 from vector<16xf32>
      %broadcast_in_dim3A_255 = vector.broadcast %reduce_sum3A_254 : f32 to vector<16xf32>
      %select_n3A = arith.select %eq3A_251, %broadcast_in_dim3A_255, %scan3A_124 : vector<16xi1>, vector<16xf32>
      scf.yield %select_n3A : vector<16xf32>
    }
    %scan3A_107 = arith.constant 16 : i32
    %swap3A = arith.constant 4992 : index
    %swap3A_108 = tpu.vector_load %arg12[%swap3A] {strides = array<i32>} : memref<5008xf32, #tpu.memory_space<vmem>>, vector<16xf32>,
    tpu.vector_store %arg12[%swap3A], %scan3A_106 {strides = array<i32>} : memref<5008xf32, #tpu.memory_space<vmem>>, vector<16xf32>,
    %dma_wait3A_109 = arith.constant 0 : i32
    %dma_wait3A_110 = arith.constant 0 : i32
    %dma_wait3A_111 = tpu.memref_slice %arg6[%dma_wait3A_109, %dma_wait3A_110] : memref<314x16xi32, #tpu.memory_space<vmem>> -> memref<1x16xi32, #tpu.memory_space<vmem>>
    %dma_wait3A_112 = tpu.memref_squeeze %dma_wait3A_111 : memref<1x16xi32, #tpu.memory_space<vmem>> -> memref<16xi32, #tpu.memory_space<vmem>>
    %dma_wait3A_113 = arith.constant 0 : i32
    %dma_wait3A_114 = arith.constant 0 : i32
    %dma_wait3A_115 = tpu.memref_slice %arg2[%dma_wait3A_113, %dma_wait3A_114] : memref<10000x256xf32, #tpu.memory_space<hbm>> -> memref<10000x256xf32, #tpu.memory_space<hbm>>
    tpu.wait_indirect_dma semaphore(%arg14 : memref<!tpu.dma_semaphore, #tpu.memory_space<semaphore_mem>>) src(%dma_wait3A_115 : memref<10000x256xf32, #tpu.memory_space<hbm>>) dst(%arg10 : memref<16x256xf32, #tpu.memory_space<vmem>>)
    %dma_wait3A_116 = arith.constant 0 : i32
    %dma_wait3A_117 = arith.constant 0 : i32
    %dma_wait3A_118 = tpu.memref_slice %arg6[%dma_wait3A_116, %dma_wait3A_117] : memref<314x16xi32, #tpu.memory_space<vmem>> -> memref<1x16xi32, #tpu.memory_space<vmem>>
    %dma_wait3A_119 = tpu.memref_squeeze %dma_wait3A_118 : memref<1x16xi32, #tpu.memory_space<vmem>> -> memref<16xi32, #tpu.memory_space<vmem>>
    %dma_wait3A_120 = arith.constant 0 : i32
    %dma_wait3A_121 = arith.constant 0 : i32
    %dma_wait3A_122 = tpu.memref_slice %arg2[%dma_wait3A_120, %dma_wait3A_121] : memref<10000x256xf32, #tpu.memory_space<hbm>> -> memref<10000x256xf32, #tpu.memory_space<hbm>>
    tpu.wait_indirect_dma semaphore(%arg14 : memref<!tpu.dma_semaphore, #tpu.memory_space<semaphore_mem>>) src(%dma_wait3A_122 : memref<10000x256xf32, #tpu.memory_space<hbm>>) dst(%arg11 : memref<16x256xf32, #tpu.memory_space<vmem>>)
    "tpu.region"() ({
      %run_scoped3A = tpu.sem_alloc : memref<!tpu.dma_semaphore, #tpu.memory_space<semaphore_mem>>
      %dma_start3A_123 = arith.constant 0 : i32
      %dma_start3A_124 = tpu.memref_slice %arg12[%dma_start3A_123] : memref<5008xf32, #tpu.memory_space<vmem>> -> memref<5000xf32, #tpu.memory_space<vmem>>
      %dma_start3A_125 = tpu.memref_slice %arg5[%mul3A_2] : memref<160000xf32, #tpu.memory_space<hbm>> -> memref<5000xf32, #tpu.memory_space<hbm>>
      %dma_start3A_126 = tpu.memref_slice %arg5[%mul3A_2] : memref<160000xf32, #tpu.memory_space<hbm>> -> memref<5000xf32, #tpu.memory_space<hbm>>
      %dma_start3A_127 = arith.constant 0 : i32
      %dma_start3A_128 = tpu.memref_slice %arg12[%dma_start3A_127] : memref<5008xf32, #tpu.memory_space<vmem>> -> memref<5000xf32, #tpu.memory_space<vmem>>
      tpu.enqueue_dma source(%dma_start3A_128 : memref<5000xf32, #tpu.memory_space<vmem>>) target(%dma_start3A_126 : memref<5000xf32, #tpu.memory_space<hbm>>) target_semaphore(%run_scoped3A : memref<!tpu.dma_semaphore, #tpu.memory_space<semaphore_mem>>)
      %dma_wait3A_129 = arith.constant 0 : i32
      %dma_wait3A_130 = tpu.memref_slice %arg12[%dma_wait3A_129] : memref<5008xf32, #tpu.memory_space<vmem>> -> memref<5000xf32, #tpu.memory_space<vmem>>
      %dma_wait3A_131 = tpu.memref_slice %arg5[%mul3A_2] : memref<160000xf32, #tpu.memory_space<hbm>> -> memref<5000xf32, #tpu.memory_space<hbm>>
      %dma_wait3A_132 = tpu.memref_slice %arg5[%mul3A_2] : memref<160000xf32, #tpu.memory_space<hbm>> -> memref<5000xf32, #tpu.memory_space<hbm>>
      %dma_wait3A_133 = arith.constant 0 : i32
      %dma_wait3A_134 = tpu.memref_slice %arg12[%dma_wait3A_133] : memref<5008xf32, #tpu.memory_space<vmem>> -> memref<5000xf32, #tpu.memory_space<vmem>>
      tpu.wait_dma2 semaphore(%run_scoped3A : memref<!tpu.dma_semaphore, #tpu.memory_space<semaphore_mem>>) src(%dma_wait3A_134 : memref<5000xf32, #tpu.memory_space<vmem>>) dst(%dma_wait3A_132 : memref<5000xf32, #tpu.memory_space<hbm>>)
      tpu.yield
    }) : () -> ()
    return
  }
}

</mosaic_0001>

<sc_bundles>
// kernel: kernel.3.cloned.1.call-start
scs
__scs_entry_jumppad:
0x0: {  	(pc) =	sbr.rel $0x88, $3  }
0x1: {  	(tag) =	ssettag $0x0;
	lr =	simm.s32 $0x1  }
0x2: {  	[smem:$0x3F9F] =	sst lr;
	_ =	strace $0xD0000000  }
0x3: {  	_ = 	snop  }
0x4: {  	_ = 	snop  }
0x5: {  	_ = 	snop  }
0x6: {  	_ = 	snop  }
0x7: {  	_ = 	snop  }
__scs_overlays_trampoline_lowered:
0x8: {  	[smem:$0x3FAE] =	sst s0  }
0x9: {  	[smem:$0x3FAF] =	sst s1  }
0xa: {  	[smem:$0x3FB0] =	sst s2  }
0xb: {  	[smem:$0x3FB1] =	sst s3  }
0xc: {  	[smem:$0x3FB2] =	sst s4  }
0xd: {  	[smem:$0x3FB3] =	sst s5  }
0xe: {  	[smem:$0x3FB4] =	sst s6  }
0xf: {  	[smem:$0x3FB5] =	sst s7  }
0x10: {  	[smem:$0x3FB6] =	sst s8  }
0x11: {  	[smem:$0x3FB7] =	sst s9;
	s0 =	simm.s32 @!p0 $0x0  }
0x12: {  	s1 =	sld [smem:$0x3F9D];
	s0 =	simm.s32 @p0 $0x1  }
0x13: {  	[smem:$0x3FB8] =	sst s0;
	s0 =	simm.s32 @!p1 $0x0  }
0x14: {  	s2 =	sld [smem:$0x3F9C];
	s0 =	simm.s32 @p1 $0x1  }
0x15: {  	[smem:$0x3FB9] =	sst s0;
	s0 =	simm.s32 @!p2 $0x0  }
0x16: {  	s3 =	sld [smem:$0x3FDB];
	s0 =	simm.s32 @p2 $0x1  }
0x17: {  	s4 =	simm.s32 $0x1BF5;
	[smem:$0x3FBB] =	sst s0  }
0x18: {  	s0 =	sld [smem:$0x3F9E];
	_ =	swait.ge [sflag:s4], $0x0  }
0x19: {  	s7 =	sld [smem:$0x3F9F]  }
0x1a: {  	s8 =	sadd.s32 $0xFFFFE003, lr  }
0x1b: {  	s9 =	sadd.s32 $0xFFFFFEF7, lr;
	s5 =	simm.s32 $0xFFFFFFFF;
	p2 =	slt.u32 s8, $0xFFFFF086  }
0x1c: {  	p1 =	slt.u32 s9, $0xF7A;
	s5 =	simm.s32 @!p2 $0x0  }
0x1d: {  	s5 =	simm.s32 @p1 $0x1;
	p0 =	seq.s32 s7, s2  }
0x1e: {  	s7 =	smul.u32 @!p0 $0xF7A, s2;
	p2 =	seq.s32 @!p0 s5, $0x0  }
0x1f: {  	s9 =	smul.u32 $0xF7A, s1;
	s8 =	simm.s32 @!p0 $0x1BF5;
	p2 =	por !p2, p0  }
0x20: {  	[sflag:s8] =	ssyncset.s32 @!p0 $0xFFFFF086;
	s6 =	sadd.s32 @!p0 s3, s7;
	s7 =	simm.s32 @!p0 $0x108  }
0x21: {  	s3 =	sadd.s32 s3, s9;
	s6 =	sadd.s32 @!p0 $0x88, s6;
	s7 =	simm.s32 @p2 $0x1082  }
0x22: {  	[simem:s7], [sflag:s8] =	dma.local @!p0 [hbm:s6], $0xF7A  }
0x23: {  	s9 =	sor.u32 $0xD0000000, s2;
	s6 =	simm.s32 $0x108;
	_ =	swait.ge @!p0 [sflag:s8], $0x0  }
0x24: {  	s3 =	sadd.s32 $0x88, s3;
	s6 =	simm.s32 @!p1 $0x1082;
	[sflag:s4] =	ssyncset.s32 $0xFFFFF086  }
0x25: {  	[simem:s6], [sflag:s4] =	dma.local [hbm:s3], $0xF7A  }
0x26: {  	[smem:$0x3F9F] =	sst s1;
	(tag) =	ssettag s2;
	_ =	strace s9  }
0x27: {  	s1 =	sld [smem:$0x3FAF]  }
0x28: {  	s2 =	sld [smem:$0x3FB0]  }
0x29: {  	s4 =	sld [smem:$0x3FB2]  }
0x2a: {  	p0 =	seq.s32 s5, $0x0;
	s5 =	sld [smem:$0x3FB3]  }
0x2b: {  	s6 =	sld [smem:$0x3FB4]  }
0x2c: {  	s7 =	sld [smem:$0x3FB5]  }
0x2d: {  	s3 =	simm.s32 $0x108;
	s8 =	sld [smem:$0x3FB6]  }
0x2e: {  	s3 =	simm.s32 @!p0 $0x1082;
	s9 =	sld [smem:$0x3FB7]  }
0x2f: {  	lr =	sadd.s32 s0, s3;
	s0 =	sld [smem:$0x3FAE]  }
0x30: {  	s3 =	sld [smem:$0x3FB1]  }
0x31: {  	[smem:$0x3FBA] =	sst s10  }
0x32: {  	s10 =	sld [smem:$0x3FB8];
	_ =	sdelay $0x3  }
0x33: {  	p0 =	seq.s32 s10, $0x1;
	s10 =	sld [smem:$0x3FBA];
	_ =	sdelay $0x3  }
0x34: {  	[smem:$0x3FBA] =	sst s10  }
0x35: {  	s10 =	sld [smem:$0x3FB9];
	_ =	sdelay $0x3  }
0x36: {  	p1 =	seq.s32 s10, $0x1;
	s10 =	sld [smem:$0x3FBA];
	_ =	sdelay $0x3  }
0x37: {  	[smem:$0x3FBA] =	sst s10  }
0x38: {  	s10 =	sld [smem:$0x3FBB]  }
0x39: {  	_ = 	snop;
	(pc) =	sbr.ind lr, $3  }
0x3a: {  	_ = 	snop  }
0x3b: {  	_ = 	snop  }
0x3c: {  	p2 =	seq.s32 s10, $0x1;
	s10 =	sld [smem:$0x3FBA]  }
0x3d: {  	_ =	shalt  }
0x3e: {  	_ =	shalt  }
0x3f: {  	_ =	shalt  }
0x40: {  	_ =	shalt  }
0x41: {  	_ =	shalt  }
0x42: {  	_ =	shalt  }
0x43: {  	_ =	shalt  }
0x44: {  	_ =	shalt  }
0x45: {  	_ =	shalt  }
0x46: {  	_ =	shalt  }
0x47: {  	_ =	shalt  }
0x48: {  	_ =	shalt  }
0x49: {  	_ =	shalt  }
0x4a: {  	_ =	shalt  }
0x4b: {  	_ =	shalt  }
0x4c: {  	_ =	shalt  }
0x4d: {  	_ =	shalt  }
0x4e: {  	_ =	shalt  }
0x4f: {  	_ =	shalt  }
0x50: {  	_ =	shalt  }
0x51: {  	_ =	shalt  }
0x52: {  	_ =	shalt  }
0x53: {  	_ =	shalt  }
0x54: {  	_ =	shalt  }
0x55: {  	_ =	shalt  }
0x56: {  	_ =	shalt  }
0x57: {  	_ =	shalt  }
0x58: {  	_ =	shalt  }
0x59: {  	_ =	shalt  }
0x5a: {  	_ =	shalt  }
0x5b: {  	_ =	shalt  }
0x5c: {  	_ =	shalt  }
0x5d: {  	_ =	shalt  }
0x5e: {  	_ =	shalt  }
0x5f: {  	_ =	shalt  }
0x60: {  	_ =	shalt  }
0x61: {  	_ =	shalt  }
0x62: {  	_ =	shalt  }
0x63: {  	_ =	shalt  }
0x64: {  	_ =	shalt  }
0x65: {  	_ =	shalt  }
0x66: {  	_ =	shalt  }
0x67: {  	_ =	shalt  }
0x68: {  	_ =	shalt  }
0x69: {  	_ =	shalt  }
0x6a: {  	_ =	shalt  }
0x6b: {  	_ =	shalt  }
0x6c: {  	_ =	shalt  }
0x6d: {  	_ =	shalt  }
0x6e: {  	_ =	shalt  }
0x6f: {  	_ =	shalt  }
0x70: {  	_ =	shalt  }
0x71: {  	_ =	shalt  }
0x72: {  	_ =	shalt  }
0x73: {  	_ =	shalt  }
0x74: {  	_ =	shalt  }
0x75: {  	_ =	shalt  }
0x76: {  	_ =	shalt  }
0x77: {  	_ =	shalt  }
0x78: {  	_ =	shalt  }
0x79: {  	_ =	shalt  }
0x7a: {  	_ =	shalt  }
0x7b: {  	_ =	shalt  }
0x7c: {  	_ =	shalt  }
0x7d: {  	_ =	shalt  }
0x7e: {  	_ =	shalt  }
0x7f: {  	_ =	shalt  }
0x80: {  	_ =	shalt  }
0x81: {  	_ =	shalt  }
0x82: {  	_ =	shalt  }
0x83: {  	_ =	shalt  }
0x84: {  	_ =	shalt  }
0x85: {  	_ =	shalt  }
0x86: {  	_ =	shalt  }
0x87: {  	_ =	shalt  }
.Lfunc_end0:
.L_simem_size_0:
called_computation_lowered:
.L_overlay_start_0:
0x88: {  	s2 =	sld [smem:$0x3FD9]  }
0x89: {  	s3 =	sld [smem:$0x3FFE];
	_ =	sdelay $0x1  }
0x8a: {  	s1 =	srdreg.scid  }
0x8b: {  	s0 =	sand.u32 $0x1, s1  }
0x8c: {  	s17 =	sshll.u32 s0, $0xA;
	s2 =	sadd.s32 s3, s2  }
0x8d: {  	s2 =	sadd.s32 s2, s17  }
0x8e: {  	[smem:$0x3FC6] =	sst s2  }
0x8f: {  	_ = 	snop  }
0x90: {  	s2 =	sld [smem:$0x3FC9]  }
0x91: {  	s18 =	sld [smem:$0x3FD0];
	(tm) =	ssettm $0x1  }
0x92: {  	s4 =	sld [smem:$0x3FFB];
	_ =	sdelay $0x3  }
0x93: {  	_ =	strace s4  }
0x94: {  	s4 =	sld [smem:$0x3FFC];
	_ =	sdelay $0x3  }
0x95: {  	_ =	strace s4  }
0x96: {  	s4 =	sld [smem:$0x3FFD];
	_ =	sdelay $0x3  }
0x97: {  	_ =	strace s4  }
0x98: {  	_ =	strace $0x8FFFFFFF  }
0x99: {  	s19 =	sld [smem:$0x3FDB];
	_ =	sdelay $0x1  }
0x9a: {  	s5 =	simm.s32 $_scs_section_size  }
0x9b: {  	s6 =	simm.s32 $_size__tile_overlayer_lowered;
	s7 =	simm.s32 $_tile_overlayer_lowered  }
0x9c: {  	s22 =	simm.s32 $0x1BFF;
	s21 =	sshll.u32 s7, $0x1;
	s4 =	sadd.s32 s5, s19  }
0x9d: {  	s8 =	simm.s32 $0x0;
	s20 =	sshll.u32 s6, $0x1;
	s6 =	sadd.s32 s21, s4  }
0x9e: {  	[timem:s8], [sflag:s22] =	dma.local [hbm:s6], s20  }
0x9f: {  	_ =	swait.ge [sflag:s22], s20  }
0xa0: {  	s5 =	ssub.s32 $0x0, s20;
	[sflag:s22] =	ssyncset.done $0x0  }
0xa1: {  	[sflag:s22] =	ssyncadd.s32 s5;
	_ =	sdelay $0x1  }
0xa2: {  	s23 =	simm.s32 $0x1B8B  }
0xa3: {  	_ =	swait.ge [sflag:s23], $0x1  }
0xa4: {  	[sflag:s23] =	ssyncset.done $0x0  }
0xa5: {  	s25 =	simm.s32 $0x1B8E;
	s24 =	sld [smem:$0x3FFE];
	[sflag:s23] =	ssyncadd.s32 $0xFFFFFFFF  }
0xa6: {  	s26 =	simm.s32 $execute0_lowered;
	[smem:$0x3FD2] =	sst s25  }
0xa7: {  	s6 =	sshll.u32 s26, $0x1;
	_ =	strace $0x80000046;
	[dreg:$0x1] =	wrdreg $0xFFFFFFFF  }
0xa8: {  	s28 =	simm.s32 $_size_execute0_lowered;
	s4 =	sadd.s32 s4, s6;
	[dreg:$0x0] =	wrdreg $0x0  }
0xa9: {  	s6 =	sshll.u32 s28, $0x1;
	[dreg:$0x2] =	wrdreg s4  }
0xaa: {  	[dreg:$0x3] =	wrdreg s6  }
0xab: {  	[dreg:$0x4] =	wrdreg $0xC0  }
0xac: {  	_ =	task [dreg:s8], $0x5FFFF  }
0xad: {  	[dreg:$0x1] =	wrdreg $0xFFFFFFFF  }
0xae: {  	[dreg:$0x0] =	wrdreg $0x60  }
0xaf: {  	[dreg:$0x2] =	wrdreg s2  }
0xb0: {  	[dreg:$0x3] =	wrdreg s24  }
0xb1: {  	[dreg:$0x4] =	wrdreg s18  }
0xb2: {  	[dreg:$0x5] =	wrdreg $0x9  }
0xb3: {  	_ =	task.clear_ibuf [dreg:s8], $0x6FFFF;
	_ =	strace $0x90000046  }
0xb4: {  	s29 =	simm.s32 $0x9;
	_ =	strace $0x80000048  }
0xb5: {  	_ =	swait.ge [sflag:s29], $0x1  }
0xb6: {  	[sflag:s29] =	ssyncadd.s32 $0xFFFFFFFF  }
0xb7: {  	_ =	strace $0x90000048  }
0xb8: {  	_ =	sfence  }
0xb9: {  	s30 =	sld [smem:$0x0];
	_ =	sdelay $0x2  }
0xba: {  	s31 =	sshll.u32 s1, $0xD;
	s1 =	sshrl.u32 s1, $0x2  }
0xbb: {  	s3 =	sand.u32 $0x4000, s31;
	s1 =	sadd.s32 s1, s30  }
0xbc: {  	s0 =	sor.u32 s3, s0;
	s1 =	sshll.u32 s1, $0x11  }
0xbd: {  	s0 =	sor.u32 s1, s0  }
0xbe: {  	s0 =	sadd.s32 $0x8F2B, s0  }
0xbf: {  	[sflag:s0] =	ssyncadd.remote.s32 $0x1  }
0xc0: {  	_ =	sfence.sel $0xFFFF  }
0xc1: {  	[dreg:$0x0] =	wrdreg $0xFFFFFFFF;
	(pc) =	sbr.abs _section_cstart, $3  }
0xc2: {  	[dreg:$0x1] =	wrdreg $0xFFFFFFFF  }
0xc3: {  	_ =	task.clear_ibuf [dreg:s8], $0x2FFFF;
	_ =	strace $0x9FFFFFFF  }
0xc4: {  	(tm) =	ssettm $0x7FFFFFFF  }
0xc5: {  	_ =	shalt  }
tec
execute0_lowered:
.L_overlay_start_1:
0x0: {  	(tag) =	ssettag $0x1  }
0x1: {  	s1 =	rddreg [dreg:$0x0];
	s2 =	srdreg.scid  }
0x2: {  	s0 =	stileid.u32;
	s4 =	rddreg [dreg:$0x1]  }
0x3: {  	s6 =	rddreg [dreg:$0x2];
	s3 =	simm.s32 $0x0;
	s10 =	simm.s32 $0x14000  }
0x4: {  	s11 =	simm.s32 $0x14800;
	s12 =	simm.s32 $0x15000;
	s13 =	simm.s32 $0x15800  }
0x5: {  	s14 =	simm.s32 $0x16000;
	s15 =	simm.s32 $0x16800;
	s16 =	simm.s32 $0x17000  }
0x6: {  	s17 =	simm.s32 $0x17800;
	s5 =	sand.u32 $0x1, s2;
	s30 =	sshll.u32 s0, $0x1  }
0x7: {  	s18 =	simm.s32 $0x1;
	s19 =	simm.s32 $0x2;
	s7 =	sor.u32 s5, s30  }
0x8: {  	s20 =	simm.s32 $0x18000;
	s5 =	ssub.s32 $0x2, s5;
	s8 =	smul.u32 $0x1400, s7  }
0x9: {  	[smem:$0x7FF] =	sst s3;
	s7 =	smul.u32 $0x271, s7;
	s9 =	sshrl.u32 s5, $0x1  }
0xa: {  	v0 =	vlaneseq.u32;
	s21 =	simm.s32 $0x0;
	_ =	strace $0x80000047;
	s31 =	ssub.s32 s5, s9  }
0xb: {  	v2 =	vshrl.u32 v0, $0x3;
	s9 =	simm.s32 $0xA000;
	s4 =	sadd.s32 s4, s8;
	s6 =	sadd.s32 s6, s7  }
0xc: {  	vm0 =	vmmov $0xffff;
	v1 =	vand.u32 $0x7, v0;
	v2 =	vmul.u32 $0x8, v2;
	s7 =	smax.u32 s31, $0x1;
	s8 =	simm.s32 $0x3;
	s5 =	sadd.s32 $0x28000, s4  }
.LBB2_1:
0xd: {  	[tilespmem:s3], [sflag:$0x3] =	stream.linear.gather [hbm4b:s5+s3], $0x9D00, $0x38;
	[tilespmem:$0x19400] =	vst v63  }
0xe: {  	_ =	swait.ge [sflag:s8], $0x9D00  }
0xf: {  	[sflag:s8] =	ssyncset.done $0x0  }
0x10: {  	[sflag:s8] =	ssyncadd.s32 $0xFFFF6300  }
0x11: {  	[tilespmem:s9], [sflag:$0x3] =	stream.linear.gather [hbm4b:s4+s3], $0x9D00, $0x38;
	[tilespmem:$0x19400] =	vst v63  }
0x12: {  	_ =	swait.ge [sflag:s8], $0x9D00  }
0x13: {  	[sflag:s8] =	ssyncset.done $0x0  }
0x14: {  	[sflag:s8] =	ssyncadd.s32 $0xFFFF6300  }
0x15: {  	v3 =	vld.msk [tilespmem:$0x0], $0xff;
	_ =	sdelay $0x4  }
0x16: {  	v4 =	vshll.u32 v3, $0x1  }
0x17: {  	v3 =	vand.u32 $0x7, v3;
	v4 =	vand.u32 $0xFFFFFFF0, v4  }
0x18: {  	v3 =	vor.u32 v3, v4  }
0x19: {  	v3 =	vperm.xlane v3, v1;
	_ =	sdelay $0x1  }
0x1a: {  	v3 =	vadd.s32 v2, v3;
	_ =	sdelay $0x4  }
0x1b: {  	[tilespmem:s10], [sflag:$0x1] =	stream.indirect_vreg.gather [hbm4b:s1+s3], $0x80, v3, vm0, $0xb8;
	[tilespmem:$0x19400] =	vst v63  }
0x1c: {  	v3 =	vld.msk [tilespmem:$0x8], $0xff;
	_ =	sdelay $0x4  }
0x1d: {  	v57 =	vshll.u32 v3, $0x1  }
0x1e: {  	v3 =	vand.u32 $0x7, v3;
	v4 =	vand.u32 $0xFFFFFFF0, v57  }
0x1f: {  	v3 =	vor.u32 v3, v4  }
0x20: {  	v3 =	vperm.xlane v3, v1;
	_ =	sdelay $0x1  }
0x21: {  	v3 =	vadd.s32 v2, v3;
	_ =	sdelay $0x4  }
0x22: {  	[tilespmem:s11], [sflag:$0x1] =	stream.indirect_vreg.gather [hbm4b:s1+s3], $0x80, v3, vm0, $0xb8;
	[tilespmem:$0x19400] =	vst v63  }
0x23: {  	v3 =	vld.msk [tilespmem:$0xA000], $0xff;
	_ =	sdelay $0x4  }
0x24: {  	v58 =	vshll.u32 v3, $0x1  }
0x25: {  	v3 =	vand.u32 $0x7, v3;
	v4 =	vand.u32 $0xFFFFFFF0, v58  }
0x26: {  	v3 =	vor.u32 v3, v4  }
0x27: {  	v3 =	vperm.xlane v3, v1;
	_ =	sdelay $0x1  }
0x28: {  	v3 =	vadd.s32 v2, v3;
	_ =	sdelay $0x4  }
0x29: {  	[tilespmem:s12], [sflag:$0x1] =	stream.indirect_vreg.gather [hbm4b:s1+s3], $0x80, v3, vm0, $0xb8;
	[tilespmem:$0x19400] =	vst v63  }
0x2a: {  	v3 =	vld.msk [tilespmem:$0xA008], $0xff;
	_ =	sdelay $0x4  }
0x2b: {  	v59 =	vshll.u32 v3, $0x1  }
0x2c: {  	v3 =	vand.u32 $0x7, v3;
	v4 =	vand.u32 $0xFFFFFFF0, v59  }
0x2d: {  	v3 =	vor.u32 v3, v4  }
0x2e: {  	v3 =	vperm.xlane v3, v1;
	_ =	sdelay $0x1  }
0x2f: {  	v3 =	vadd.s32 v2, v3;
	_ =	sdelay $0x4  }
0x30: {  	[tilespmem:s13], [sflag:$0x1] =	stream.indirect_vreg.gather [hbm4b:s1+s3], $0x80, v3, vm0, $0xb8;
	[tilespmem:$0x19400] =	vst v63  }
0x31: {  	v3 =	vld.msk [tilespmem:$0x80], $0xff;
	_ =	sdelay $0x4  }
0x32: {  	v60 =	vshll.u32 v3, $0x1  }
0x33: {  	v3 =	vand.u32 $0x7, v3;
	v4 =	vand.u32 $0xFFFFFFF0, v60  }
0x34: {  	v3 =	vor.u32 v3, v4  }
0x35: {  	v3 =	vperm.xlane v3, v1;
	_ =	sdelay $0x1  }
0x36: {  	v3 =	vadd.s32 v2, v3;
	_ =	sdelay $0x4  }
0x37: {  	[tilespmem:s14], [sflag:$0x2] =	stream.indirect_vreg.gather [hbm4b:s1+s3], $0x80, v3, vm0, $0xb8;
	[tilespmem:$0x19400] =	vst v63  }
0x38: {  	v3 =	vld.msk [tilespmem:$0x88], $0xff;
	_ =	sdelay $0x4  }
0x39: {  	v61 =	vshll.u32 v3, $0x1  }
0x3a: {  	v3 =	vand.u32 $0x7, v3;
	v4 =	vand.u32 $0xFFFFFFF0, v61  }
0x3b: {  	v3 =	vor.u32 v3, v4  }
0x3c: {  	v3 =	vperm.xlane v3, v1;
	_ =	sdelay $0x1  }
0x3d: {  	v3 =	vadd.s32 v2, v3;
	_ =	sdelay $0x4  }
0x3e: {  	[tilespmem:s15], [sflag:$0x2] =	stream.indirect_vreg.gather [hbm4b:s1+s3], $0x80, v3, vm0, $0xb8;
	[tilespmem:$0x19400] =	vst v63  }
0x3f: {  	v3 =	vld.msk [tilespmem:$0xA080], $0xff;
	_ =	sdelay $0x4  }
0x40: {  	v62 =	vshll.u32 v3, $0x1  }
0x41: {  	v3 =	vand.u32 $0x7, v3;
	v4 =	vand.u32 $0xFFFFFFF0, v62  }
0x42: {  	v3 =	vor.u32 v3, v4  }
0x43: {  	v3 =	vperm.xlane v3, v1;
	_ =	sdelay $0x1  }
0x44: {  	v3 =	vadd.s32 v2, v3;
	_ =	sdelay $0x4  }
0x45: {  	[tilespmem:s16], [sflag:$0x2] =	stream.indirect_vreg.gather [hbm4b:s1+s3], $0x80, v3, vm0, $0xb8;
	[tilespmem:$0x19400] =	vst v63  }
0x46: {  	v3 =	vld.msk [tilespmem:$0xA088], $0xff;
	_ =	sdelay $0x4  }
0x47: {  	v63 =	vshll.u32 v3, $0x1  }
0x48: {  	v3 =	vand.u32 $0x7, v3;
	v4 =	vand.u32 $0xFFFFFFF0, v63  }
0x49: {  	v3 =	vor.u32 v3, v4  }
0x4a: {  	v3 =	vperm.xlane v3, v1;
	_ =	sdelay $0x1  }
0x4b: {  	v3 =	vadd.s32 v2, v3;
	_ =	sdelay $0x3  }
0x4c: {  	s22 =	simm.s32 $0x0  }
0x4d: {  	[tilespmem:s17], [sflag:$0x2] =	stream.indirect_vreg.gather [hbm4b:s1+s3], $0x80, v3, vm0, $0xb8;
	[tilespmem:$0x19400] =	vst v63  }
.LBB2_2:
0x4e: {  	_ =	swait.ge [sflag:s18], $0x1000  }
0x4f: {  	[sflag:s18] =	ssyncset.done $0x0  }
0x50: {  	[sflag:s18] =	ssyncadd.s32 $0xFFFFF000  }
0x51: {  	s23 =	simm.s32 $0x0;
	_ =	swait.ge [sflag:s18], $0x1000  }
0x52: {  	s24 =	sand.u32 $0x800, s23;
	s25 =	sand.u32 $0x380, s23;
	[sflag:s18] =	ssyncset.done $0x0  }
0x53: {  	s24 =	sor.u32 s25, s24;
	[sflag:s18] =	ssyncadd.s32 $0xFFFFF000  }
0x54: {  	v3 =	vld [tilespmem:s24+$0x14000]  }
0x55: {  	v23 =	vld [tilespmem:s24+$0x15000]  }
0x56: {  	v25 =	vld [tilespmem:s24+$0x14010]  }
0x57: {  	v26 =	vld [tilespmem:s24+$0x15010]  }
0x58: {  	v27 =	vld [tilespmem:s24+$0x14020]  }
0x59: {  	v28 =	vld [tilespmem:s24+$0x15020]  }
0x5a: {  	v29 =	vld [tilespmem:s24+$0x14030]  }
0x5b: {  	v30 =	vld [tilespmem:s24+$0x15030]  }
0x5c: {  	v4 =	vld [tilespmem:s24+$0x14040]  }
0x5d: {  	v5 =	vld [tilespmem:s24+$0x15040]  }
0x5e: {  	v6 =	vld [tilespmem:s24+$0x14050]  }
0x5f: {  	v8 =	vld [tilespmem:s24+$0x15050]  }
0x60: {  	v7 =	vld [tilespmem:s24+$0x14060]  }
0x61: {  	v9 =	vld [tilespmem:s24+$0x15060]  }
0x62: {  	v10 =	vld [tilespmem:s24+$0x14070]  }
0x63: {  	v13 =	vld [tilespmem:s24+$0x15070]  }
0x64: {  	v11 =	vld [tilespmem:s24+$0x14400]  }
0x65: {  	v12 =	vld [tilespmem:s24+$0x15400]  }
0x66: {  	v14 =	vld [tilespmem:s24+$0x14410]  }
0x67: {  	v16 =	vld [tilespmem:s24+$0x15410]  }
0x68: {  	v15 =	vld [tilespmem:s24+$0x14420]  }
0x69: {  	v17 =	vld [tilespmem:s24+$0x15420]  }
0x6a: {  	v18 =	vld [tilespmem:s24+$0x14430]  }
0x6b: {  	v20 =	vld [tilespmem:s24+$0x15430]  }
0x6c: {  	v19 =	vld [tilespmem:s24+$0x14440]  }
0x6d: {  	v21 =	vld [tilespmem:s24+$0x15440]  }
0x6e: {  	v22 =	vld [tilespmem:s24+$0x14450]  }
0x6f: {  	v24 =	vld [tilespmem:s24+$0x15450]  }
0x70: {  	v23 =	vmul.f32 v23, v3;
	v25 =	vmul.f32 v26, v25;
	v26 =	vld [tilespmem:s24+$0x14460]  }
0x71: {  	s26 =	simm.s32 $0x100;
	s28 =	simm.s32 $0x1;
	s25 =	simm.s32 $0x80;
	v3 =	vimm.f32 $0.0e+00;
	v27 =	vmul.f32 v28, v27;
	v28 =	vmul.f32 v30, v29;
	v29 =	vld [tilespmem:s24+$0x15460]  }
.LBB2_3:
0x72: {  	s29 =	sand.u32 $0x800, s26;
	s30 =	sand.u32 $0x380, s25;
	p0 =	sne.s32 s28, $0xF;
	v4 =	vmul.f32 v5, v4;
	v5 =	vmul.f32 v8, v6;
	v6 =	vld [tilespmem:s24+$0x14470]  }
0x73: {  	v7 =	vmul.f32 v9, v7;
	v8 =	vmul.f32 v13, v10;
	v9 =	vld [tilespmem:s24+$0x15470];
	s24 =	sor.u32 s30, s29  }
0x74: {  	v10 =	vmul.f32 v12, v11;
	v11 =	vmul.f32 v16, v14;
	v30 =	vld [tilespmem:s24+$0x14000]  }
0x75: {  	v12 =	vmul.f32 v17, v15;
	v13 =	vmul.f32 v20, v18;
	v31 =	vld [tilespmem:s24+$0x15000]  }
0x76: {  	v14 =	vmul.f32 v21, v19;
	v15 =	vmul.f32 v24, v22;
	v32 =	vld [tilespmem:s24+$0x14010]  }
0x77: {  	v17 =	vadd.f32 v25, v23;
	v18 =	vadd.f32 v28, v27;
	v16 =	vmul.f32 v29, v26;
	v33 =	vld [tilespmem:s24+$0x15010]  }
0x78: {  	v4 =	vadd.f32 v5, v4;
	v5 =	vadd.f32 v8, v7;
	v27 =	vld [tilespmem:s24+$0x14020];
	v6 =	vmul.f32 v9, v6  }
0x79: {  	v7 =	vadd.f32 v11, v10;
	v8 =	vadd.f32 v13, v12;
	v28 =	vld [tilespmem:s24+$0x15020]  }
0x7a: {  	v9 =	vadd.f32 v15, v14;
	v29 =	vld [tilespmem:s24+$0x14030];
	v6 =	vadd.f32 v6, v16  }
0x7b: {  	v10 =	vadd.f32 v18, v17;
	v11 =	vadd.f32 v5, v4;
	v34 =	vld [tilespmem:s24+$0x15030]  }
0x7c: {  	v7 =	vadd.f32 v8, v7;
	v4 =	vld [tilespmem:s24+$0x14040];
	v8 =	vadd.f32 v6, v9  }
0x7d: {  	v5 =	vld [tilespmem:s24+$0x15040]  }
0x7e: {  	v9 =	vadd.f32 v11, v10;
	v6 =	vld [tilespmem:s24+$0x14050];
	v10 =	vadd.f32 v8, v7  }
0x7f: {  	v8 =	vld [tilespmem:s24+$0x15050]  }
0x80: {  	v7 =	vld [tilespmem:s24+$0x14060];
	v11 =	vadd.f32 v10, v9  }
0x81: {  	v9 =	vld [tilespmem:s24+$0x15060]  }
0x82: {  	v10 =	vld [tilespmem:s24+$0x14070];
	(xrf2) =	vadd.scan.msk.f32 $0xffff, v11  }
0x83: {  	v13 =	vld [tilespmem:s24+$0x15070]  }
0x84: {  	v11 =	vld [tilespmem:s24+$0x14400]  }
0x85: {  	v12 =	vld [tilespmem:s24+$0x15400]  }
0x86: {  	v14 =	vld [tilespmem:s24+$0x14410]  }
0x87: {  	v16 =	vld [tilespmem:s24+$0x15410]  }
0x88: {  	v15 =	vld [tilespmem:s24+$0x14420]  }
0x89: {  	v17 =	vld [tilespmem:s24+$0x15420]  }
0x8a: {  	v18 =	vld [tilespmem:s24+$0x14430]  }
0x8b: {  	v20 =	vld [tilespmem:s24+$0x15430]  }
0x8c: {  	v19 =	vld [tilespmem:s24+$0x14440];
	v22, _, _ =	vpop (xrf2)  }
.Ltmp0:
0x8d: {  	v23 =	vmov s23;
	s23 =	smov.u32 s28;
	v21 =	vld [tilespmem:s24+$0x15440];
	v25 =	vbroadcast v22, $0xF;
	(pc) =	sbr.rel @p0 .LBB2_3-.Ltmp0, $4  }
0x8e: {  	vm1 =	veq.s32 v23, v0;
	v22 =	vld [tilespmem:s24+$0x14450]  }
0x8f: {  	v24 =	vld [tilespmem:s24+$0x15450];
	v3 =	vsel vm1, v25, v3  }
0x90: {  	v23 =	vmul.f32 v31, v30;
	v25 =	vmul.f32 v33, v32;
	v26 =	vld [tilespmem:s24+$0x14460]  }
0x91: {  	s25 =	sadd.s32 $0x80, s25;
	s26 =	sadd.s32 $0x100, s26;
	s28 =	sadd.s32 $0x1, s28;
	v27 =	vmul.f32 v28, v27;
	v28 =	vmul.f32 v34, v29;
	v29 =	vld [tilespmem:s24+$0x15460]  }
0x92: {  	v4 =	vmul.f32 v5, v4;
	v5 =	vmul.f32 v8, v6;
	v6 =	vld [tilespmem:s24+$0x14470]  }
0x93: {  	v7 =	vmul.f32 v9, v7;
	v9 =	vld [tilespmem:s24+$0x15470]  }
0x94: {  	v8 =	vmul.f32 v13, v10;
	v10 =	vmul.f32 v12, v11  }
0x95: {  	v11 =	vmul.f32 v16, v14;
	v12 =	vmul.f32 v17, v15  }
0x96: {  	v13 =	vmul.f32 v20, v18;
	v14 =	vmul.f32 v21, v19;
	v17 =	vadd.f32 v25, v23  }
0x97: {  	v18 =	vadd.f32 v28, v27;
	v15 =	vmul.f32 v24, v22;
	v4 =	vadd.f32 v5, v4  }
0x98: {  	v5 =	vadd.f32 v8, v7;
	v16 =	vmul.f32 v29, v26;
	v6 =	vmul.f32 v9, v6  }
0x99: {  	v7 =	vadd.f32 v11, v10;
	v8 =	vadd.f32 v13, v12  }
0x9a: {  	v9 =	vadd.f32 v15, v14;
	v6 =	vadd.f32 v6, v16  }
0x9b: {  	v10 =	vadd.f32 v18, v17;
	v4 =	vadd.f32 v5, v4  }
0x9c: {  	v5 =	vadd.f32 v8, v7;
	v6 =	vadd.f32 v6, v9;
	_ =	sdelay $0x1  }
0x9d: {  	v4 =	vadd.f32 v4, v10;
	v5 =	vadd.f32 v6, v5;
	_ =	sdelay $0x1  }
0x9e: {  	v4 =	vadd.f32 v5, v4;
	_ =	sdelay $0x1  }
0x9f: {  	(xrf2) =	vadd.scan.msk.f32 $0xffff, v4;
	_ =	sdelay $0x9  }
0xa0: {  	v4, _, _ =	vpop (xrf2)  }
0xa1: {  	v5 =	vmov s23;
	v4 =	vbroadcast v4, $0xF  }
0xa2: {  	s31 =	sshll.u32 s22, $0x5;
	vm1 =	veq.s32 v5, v0  }
0xa3: {  	s24 =	sand.u32 $0x3FFFFFE0, s31;
	v3 =	vsel vm1, v4, v3  }
0xa4: {  	s23 =	sshll.u32 s22, $0x8;
	[tilespmem:s24+$0x18000] =	vst v3  }
0xa5: {  	v3 =	vld.msk [tilespmem:s23+$0x100], $0xff;
	_ =	sdelay $0x4  }
0xa6: {  	v4 =	vshll.u32 v3, $0x1  }
0xa7: {  	v3 =	vand.u32 $0x7, v3;
	v4 =	vand.u32 $0xFFFFFFF0, v4  }
0xa8: {  	v3 =	vor.u32 v3, v4  }
0xa9: {  	v3 =	vperm.xlane v3, v1;
	_ =	sdelay $0x1  }
0xaa: {  	v3 =	vadd.s32 v2, v3;
	_ =	sdelay $0x3  }
0xab: {  	s25 =	simm.s32 $0x0  }
0xac: {  	[tilespmem:s10], [sflag:$0x1] =	stream.indirect_vreg.gather [hbm4b:s1+s25], $0x80, v3, vm0, $0xb8;
	[tilespmem:$0x19400] =	vst v63  }
0xad: {  	v3 =	vld.msk [tilespmem:s23+$0x108], $0xff;
	_ =	sdelay $0x4  }
0xae: {  	v4 =	vshll.u32 v3, $0x1  }
0xaf: {  	v3 =	vand.u32 $0x7, v3;
	v4 =	vand.u32 $0xFFFFFFF0, v4  }
0xb0: {  	v3 =	vor.u32 v3, v4  }
0xb1: {  	v3 =	vperm.xlane v3, v1;
	_ =	sdelay $0x1  }
0xb2: {  	v3 =	vadd.s32 v2, v3;
	_ =	sdelay $0x4  }
0xb3: {  	[tilespmem:s11], [sflag:$0x1] =	stream.indirect_vreg.gather [hbm4b:s1+s25], $0x80, v3, vm0, $0xb8;
	[tilespmem:$0x19400] =	vst v63  }
0xb4: {  	v3 =	vld.msk [tilespmem:s23+$0xA100], $0xff;
	_ =	sdelay $0x4  }
0xb5: {  	v4 =	vshll.u32 v3, $0x1  }
0xb6: {  	v3 =	vand.u32 $0x7, v3;
	v4 =	vand.u32 $0xFFFFFFF0, v4  }
0xb7: {  	v3 =	vor.u32 v3, v4  }
0xb8: {  	v3 =	vperm.xlane v3, v1;
	_ =	sdelay $0x1  }
0xb9: {  	v3 =	vadd.s32 v2, v3;
	_ =	sdelay $0x4  }
0xba: {  	[tilespmem:s12], [sflag:$0x1] =	stream.indirect_vreg.gather [hbm4b:s1+s25], $0x80, v3, vm0, $0xb8;
	[tilespmem:$0x19400] =	vst v63  }
0xbb: {  	v3 =	vld.msk [tilespmem:s23+$0xA108], $0xff;
	_ =	sdelay $0x4  }
0xbc: {  	v4 =	vshll.u32 v3, $0x1  }
0xbd: {  	v3 =	vand.u32 $0x7, v3;
	v4 =	vand.u32 $0xFFFFFFF0, v4  }
0xbe: {  	v3 =	vor.u32 v3, v4  }
0xbf: {  	v3 =	vperm.xlane v3, v1;
	_ =	sdelay $0x1  }
0xc0: {  	v3 =	vadd.s32 v2, v3;
	_ =	sdelay $0x4  }
0xc1: {  	[tilespmem:s13], [sflag:$0x1] =	stream.indirect_vreg.gather [hbm4b:s1+s25], $0x80, v3, vm0, $0xb8;
	[tilespmem:$0x19400] =	vst v63  }
0xc2: {  	_ =	swait.ge [sflag:s19], $0x1000  }
0xc3: {  	[sflag:s19] =	ssyncset.done $0x0  }
0xc4: {  	[sflag:s19] =	ssyncadd.s32 $0xFFFFF000  }
0xc5: {  	_ =	swait.ge [sflag:s19], $0x1000  }
0xc6: {  	s26 =	sand.u32 $0x800, s25;
	s28 =	sand.u32 $0x380, s25;
	[sflag:s19] =	ssyncset.done $0x0  }
0xc7: {  	s26 =	sor.u32 s28, s26;
	[sflag:s19] =	ssyncadd.s32 $0xFFFFF000  }
0xc8: {  	v3 =	vld [tilespmem:s26+$0x16000]  }
0xc9: {  	v23 =	vld [tilespmem:s26+$0x17000]  }
0xca: {  	v25 =	vld [tilespmem:s26+$0x16010]  }
0xcb: {  	v26 =	vld [tilespmem:s26+$0x17010]  }
0xcc: {  	v27 =	vld [tilespmem:s26+$0x16020]  }
0xcd: {  	v28 =	vld [tilespmem:s26+$0x17020]  }
0xce: {  	v29 =	vld [tilespmem:s26+$0x16030]  }
0xcf: {  	v30 =	vld [tilespmem:s26+$0x17030]  }
0xd0: {  	v4 =	vld [tilespmem:s26+$0x16040]  }
0xd1: {  	v5 =	vld [tilespmem:s26+$0x17040]  }
0xd2: {  	v6 =	vld [tilespmem:s26+$0x16050]  }
0xd3: {  	v8 =	vld [tilespmem:s26+$0x17050]  }
0xd4: {  	v7 =	vld [tilespmem:s26+$0x16060]  }
0xd5: {  	v9 =	vld [tilespmem:s26+$0x17060]  }
0xd6: {  	v10 =	vld [tilespmem:s26+$0x16070]  }
0xd7: {  	v13 =	vld [tilespmem:s26+$0x17070]  }
0xd8: {  	v11 =	vld [tilespmem:s26+$0x16400]  }
0xd9: {  	v12 =	vld [tilespmem:s26+$0x17400]  }
0xda: {  	v14 =	vld [tilespmem:s26+$0x16410]  }
0xdb: {  	v16 =	vld [tilespmem:s26+$0x17410]  }
0xdc: {  	v15 =	vld [tilespmem:s26+$0x16420]  }
0xdd: {  	v17 =	vld [tilespmem:s26+$0x17420]  }
0xde: {  	v18 =	vld [tilespmem:s26+$0x16430]  }
0xdf: {  	v20 =	vld [tilespmem:s26+$0x17430]  }
0xe0: {  	v19 =	vld [tilespmem:s26+$0x16440]  }
0xe1: {  	v21 =	vld [tilespmem:s26+$0x17440]  }
0xe2: {  	v22 =	vld [tilespmem:s26+$0x16450]  }
0xe3: {  	v24 =	vld [tilespmem:s26+$0x17450]  }
0xe4: {  	v23 =	vmul.f32 v23, v3;
	v25 =	vmul.f32 v26, v25;
	v26 =	vld [tilespmem:s26+$0x16460]  }
0xe5: {  	s29 =	simm.s32 $0x100;
	s30 =	simm.s32 $0x1;
	s28 =	simm.s32 $0x80;
	v3 =	vimm.f32 $0.0e+00;
	v27 =	vmul.f32 v28, v27;
	v28 =	vmul.f32 v30, v29;
	v29 =	vld [tilespmem:s26+$0x17460]  }
.LBB2_5:
0xe6: {  	s31 =	sand.u32 $0x800, s29;
	s2 =	sand.u32 $0x380, s28;
	p0 =	sne.s32 s30, $0xF;
	v4 =	vmul.f32 v5, v4;
	v5 =	vmul.f32 v8, v6;
	v6 =	vld [tilespmem:s26+$0x16470]  }
0xe7: {  	v7 =	vmul.f32 v9, v7;
	v8 =	vmul.f32 v13, v10;
	v9 =	vld [tilespmem:s26+$0x17470];
	s26 =	sor.u32 s2, s31  }
0xe8: {  	v10 =	vmul.f32 v12, v11;
	v11 =	vmul.f32 v16, v14;
	v30 =	vld [tilespmem:s26+$0x16000]  }
0xe9: {  	v12 =	vmul.f32 v17, v15;
	v13 =	vmul.f32 v20, v18;
	v31 =	vld [tilespmem:s26+$0x17000]  }
0xea: {  	v14 =	vmul.f32 v21, v19;
	v15 =	vmul.f32 v24, v22;
	v32 =	vld [tilespmem:s26+$0x16010]  }
0xeb: {  	v17 =	vadd.f32 v25, v23;
	v18 =	vadd.f32 v28, v27;
	v16 =	vmul.f32 v29, v26;
	v33 =	vld [tilespmem:s26+$0x17010]  }
0xec: {  	v4 =	vadd.f32 v5, v4;
	v5 =	vadd.f32 v8, v7;
	v27 =	vld [tilespmem:s26+$0x16020];
	v6 =	vmul.f32 v9, v6  }
0xed: {  	v7 =	vadd.f32 v11, v10;
	v8 =	vadd.f32 v13, v12;
	v28 =	vld [tilespmem:s26+$0x17020]  }
0xee: {  	v9 =	vadd.f32 v15, v14;
	v29 =	vld [tilespmem:s26+$0x16030];
	v6 =	vadd.f32 v6, v16  }
0xef: {  	v10 =	vadd.f32 v18, v17;
	v11 =	vadd.f32 v5, v4;
	v34 =	vld [tilespmem:s26+$0x17030]  }
0xf0: {  	v7 =	vadd.f32 v8, v7;
	v4 =	vld [tilespmem:s26+$0x16040];
	v8 =	vadd.f32 v6, v9  }
0xf1: {  	v5 =	vld [tilespmem:s26+$0x17040]  }
0xf2: {  	v9 =	vadd.f32 v11, v10;
	v6 =	vld [tilespmem:s26+$0x16050];
	v10 =	vadd.f32 v8, v7  }
0xf3: {  	v8 =	vld [tilespmem:s26+$0x17050]  }
0xf4: {  	v7 =	vld [tilespmem:s26+$0x16060];
	v11 =	vadd.f32 v10, v9  }
0xf5: {  	v9 =	vld [tilespmem:s26+$0x17060]  }
0xf6: {  	v10 =	vld [tilespmem:s26+$0x16070];
	(xrf2) =	vadd.scan.msk.f32 $0xffff, v11  }
0xf7: {  	v13 =	vld [tilespmem:s26+$0x17070]  }
0xf8: {  	v11 =	vld [tilespmem:s26+$0x16400]  }
0xf9: {  	v12 =	vld [tilespmem:s26+$0x17400]  }
0xfa: {  	v14 =	vld [tilespmem:s26+$0x16410]  }
0xfb: {  	v16 =	vld [tilespmem:s26+$0x17410]  }
0xfc: {  	v15 =	vld [tilespmem:s26+$0x16420]  }
0xfd: {  	v17 =	vld [tilespmem:s26+$0x17420]  }
0xfe: {  	v18 =	vld [tilespmem:s26+$0x16430]  }
0xff: {  	v20 =	vld [tilespmem:s26+$0x17430]  }
0x100: {  	v19 =	vld [tilespmem:s26+$0x16440];
	v22, _, _ =	vpop (xrf2)  }
.Ltmp1:
0x101: {  	v23 =	vmov s25;
	s25 =	smov.u32 s30;
	v21 =	vld [tilespmem:s26+$0x17440];
	v25 =	vbroadcast v22, $0xF;
	(pc) =	sbr.rel @p0 .LBB2_5-.Ltmp1, $4  }
0x102: {  	vm1 =	veq.s32 v23, v0;
	v22 =	vld [tilespmem:s26+$0x16450]  }
0x103: {  	v24 =	vld [tilespmem:s26+$0x17450];
	v3 =	vsel vm1, v25, v3  }
0x104: {  	v23 =	vmul.f32 v31, v30;
	v25 =	vmul.f32 v33, v32;
	v26 =	vld [tilespmem:s26+$0x16460]  }
0x105: {  	s28 =	sadd.s32 $0x80, s28;
	s29 =	sadd.s32 $0x100, s29;
	s30 =	sadd.s32 $0x1, s30;
	v27 =	vmul.f32 v28, v27;
	v28 =	vmul.f32 v34, v29;
	v29 =	vld [tilespmem:s26+$0x17460]  }
0x106: {  	v4 =	vmul.f32 v5, v4;
	v41 =	vld [tilespmem:s26+$0x16470]  }
0x107: {  	v40 =	vmul.f32 v8, v6;
	v7 =	vmul.f32 v9, v7;
	v43 =	vld [tilespmem:s26+$0x17470]  }
0x108: {  	v42 =	vmul.f32 v13, v10;
	v44 =	vmul.f32 v12, v11  }
0x109: {  	v45 =	vmul.f32 v16, v14;
	v46 =	vmul.f32 v17, v15  }
0x10a: {  	v47 =	vmul.f32 v20, v18;
	v48 =	vmul.f32 v21, v19;
	v51 =	vadd.f32 v25, v23  }
0x10b: {  	v52 =	vadd.f32 v28, v27;
	v49 =	vmul.f32 v24, v22;
	v4 =	vadd.f32 v40, v4  }
0x10c: {  	v53 =	vadd.f32 v42, v7;
	v50 =	vmul.f32 v29, v26;
	v6 =	vmul.f32 v43, v41  }
0x10d: {  	v54 =	vadd.f32 v45, v44;
	v55 =	vadd.f32 v47, v46  }
0x10e: {  	v56 =	vadd.f32 v49, v48;
	v6 =	vadd.f32 v6, v50  }
0x10f: {  	v57 =	vadd.f32 v52, v51;
	v4 =	vadd.f32 v53, v4  }
0x110: {  	v58 =	vadd.f32 v55, v54;
	v6 =	vadd.f32 v6, v56;
	_ =	sdelay $0x1  }
0x111: {  	v4 =	vadd.f32 v4, v57;
	v5 =	vadd.f32 v6, v58;
	_ =	sdelay $0x1  }
0x112: {  	v4 =	vadd.f32 v5, v4;
	_ =	sdelay $0x1  }
0x113: {  	(xrf2) =	vadd.scan.msk.f32 $0xffff, v4;
	_ =	sdelay $0x9  }
0x114: {  	v4, _, _ =	vpop (xrf2)  }
0x115: {  	v59 =	vmov s25;
	v4 =	vbroadcast v4, $0xF  }
0x116: {  	vm1 =	veq.s32 v59, v0  }
0x117: {  	v3 =	vsel vm1, v4, v3  }
0x118: {  	[tilespmem:s24+$0x18010] =	vst v3  }
0x119: {  	v3 =	vld.msk [tilespmem:s23+$0x180], $0xff;
	_ =	sdelay $0x4  }
0x11a: {  	v60 =	vshll.u32 v3, $0x1  }
0x11b: {  	v3 =	vand.u32 $0x7, v3;
	v4 =	vand.u32 $0xFFFFFFF0, v60  }
0x11c: {  	v3 =	vor.u32 v3, v4  }
0x11d: {  	v3 =	vperm.xlane v3, v1;
	_ =	sdelay $0x1  }
0x11e: {  	v3 =	vadd.s32 v2, v3;
	_ =	sdelay $0x4  }
0x11f: {  	[tilespmem:s14], [sflag:$0x2] =	stream.indirect_vreg.gather [hbm4b:s1+s3], $0x80, v3, vm0, $0xb8;
	[tilespmem:$0x19400] =	vst v63  }
0x120: {  	v3 =	vld.msk [tilespmem:s23+$0x188], $0xff;
	_ =	sdelay $0x4  }
0x121: {  	v61 =	vshll.u32 v3, $0x1  }
0x122: {  	v3 =	vand.u32 $0x7, v3;
	v4 =	vand.u32 $0xFFFFFFF0, v61  }
0x123: {  	v3 =	vor.u32 v3, v4  }
0x124: {  	v3 =	vperm.xlane v3, v1;
	_ =	sdelay $0x1  }
0x125: {  	v3 =	vadd.s32 v2, v3;
	_ =	sdelay $0x4  }
0x126: {  	[tilespmem:s15], [sflag:$0x2] =	stream.indirect_vreg.gather [hbm4b:s1+s3], $0x80, v3, vm0, $0xb8;
	[tilespmem:$0x19400] =	vst v63  }
0x127: {  	v3 =	vld.msk [tilespmem:s23+$0xA180], $0xff;
	_ =	sdelay $0x4  }
0x128: {  	v62 =	vshll.u32 v3, $0x1  }
0x129: {  	v3 =	vand.u32 $0x7, v3;
	v4 =	vand.u32 $0xFFFFFFF0, v62  }
0x12a: {  	v3 =	vor.u32 v3, v4  }
0x12b: {  	v3 =	vperm.xlane v3, v1;
	_ =	sdelay $0x1  }
0x12c: {  	v3 =	vadd.s32 v2, v3;
	_ =	sdelay $0x4  }
0x12d: {  	[tilespmem:s16], [sflag:$0x2] =	stream.indirect_vreg.gather [hbm4b:s1+s3], $0x80, v3, vm0, $0xb8;
	[tilespmem:$0x19400] =	vst v63  }
0x12e: {  	v3 =	vld.msk [tilespmem:s23+$0xA188], $0xff;
	_ =	sdelay $0x4  }
0x12f: {  	v63 =	vshll.u32 v3, $0x1  }
0x130: {  	v3 =	vand.u32 $0x7, v3;
	v4 =	vand.u32 $0xFFFFFFF0, v63  }
0x131: {  	v3 =	vor.u32 v3, v4  }
0x132: {  	v3 =	vperm.xlane v3, v1  }
0x133: {  	s22 =	sadd.s32 $0x1, s22  }
0x134: {  	p0 =	sne.s32 s22, $0x9C;
	v3 =	vadd.s32 v2, v3  }
.Ltmp2:
0x135: {  	_ = 	snop;
	(pc) =	sbr.rel @p0 .LBB2_2-.Ltmp2, $2  }
0x136: {  	_ =	sdelay $0x2  }
0x137: {  	[tilespmem:s17], [sflag:$0x2] =	stream.indirect_vreg.gather [hbm4b:s1+s3], $0x80, v3, vm0, $0xb8;
	[tilespmem:$0x19400] =	vst v63  }
0x138: {  	_ =	swait.ge [sflag:s18], $0x1000  }
0x139: {  	[sflag:s18] =	ssyncset.done $0x0  }
0x13a: {  	[sflag:s18] =	ssyncadd.s32 $0xFFFFF000  }
0x13b: {  	s22 =	simm.s32 $0x0;
	_ =	swait.ge [sflag:s18], $0x1000  }
0x13c: {  	s2 =	sand.u32 $0x800, s22;
	s23 =	sand.u32 $0x380, s22;
	[sflag:s18] =	ssyncset.done $0x0  }
0x13d: {  	s23 =	sor.u32 s23, s2;
	[sflag:s18] =	ssyncadd.s32 $0xFFFFF000  }
0x13e: {  	v3 =	vld [tilespmem:s23+$0x14000]  }
0x13f: {  	v23 =	vld [tilespmem:s23+$0x15000]  }
0x140: {  	v25 =	vld [tilespmem:s23+$0x14010]  }
0x141: {  	v26 =	vld [tilespmem:s23+$0x15010]  }
0x142: {  	v27 =	vld [tilespmem:s23+$0x14020]  }
0x143: {  	v28 =	vld [tilespmem:s23+$0x15020]  }
0x144: {  	v29 =	vld [tilespmem:s23+$0x14030]  }
0x145: {  	v30 =	vld [tilespmem:s23+$0x15030]  }
0x146: {  	v4 =	vld [tilespmem:s23+$0x14040]  }
0x147: {  	v5 =	vld [tilespmem:s23+$0x15040]  }
0x148: {  	v6 =	vld [tilespmem:s23+$0x14050]  }
0x149: {  	v8 =	vld [tilespmem:s23+$0x15050]  }
0x14a: {  	v7 =	vld [tilespmem:s23+$0x14060]  }
0x14b: {  	v9 =	vld [tilespmem:s23+$0x15060]  }
0x14c: {  	v10 =	vld [tilespmem:s23+$0x14070]  }
0x14d: {  	v13 =	vld [tilespmem:s23+$0x15070]  }
0x14e: {  	v11 =	vld [tilespmem:s23+$0x14400]  }
0x14f: {  	v12 =	vld [tilespmem:s23+$0x15400]  }
0x150: {  	v14 =	vld [tilespmem:s23+$0x14410]  }
0x151: {  	v16 =	vld [tilespmem:s23+$0x15410]  }
0x152: {  	v15 =	vld [tilespmem:s23+$0x14420]  }
0x153: {  	v17 =	vld [tilespmem:s23+$0x15420]  }
0x154: {  	v18 =	vld [tilespmem:s23+$0x14430]  }
0x155: {  	v20 =	vld [tilespmem:s23+$0x15430]  }
0x156: {  	v19 =	vld [tilespmem:s23+$0x14440]  }
0x157: {  	v21 =	vld [tilespmem:s23+$0x15440]  }
0x158: {  	v22 =	vld [tilespmem:s23+$0x14450]  }
0x159: {  	v24 =	vld [tilespmem:s23+$0x15450]  }
0x15a: {  	v23 =	vmul.f32 v23, v3;
	v25 =	vmul.f32 v26, v25;
	v26 =	vld [tilespmem:s23+$0x14460]  }
0x15b: {  	s24 =	simm.s32 $0x80;
	s25 =	simm.s32 $0x100;
	s26 =	simm.s32 $0x1;
	v3 =	vimm.f32 $0.0e+00;
	v27 =	vmul.f32 v28, v27;
	v28 =	vmul.f32 v30, v29;
	v29 =	vld [tilespmem:s23+$0x15460]  }
.LBB2_8:
0x15c: {  	s2 =	sand.u32 $0x800, s25;
	s28 =	sand.u32 $0x380, s24;
	p0 =	sne.s32 s26, $0xF;
	v4 =	vmul.f32 v5, v4;
	v5 =	vmul.f32 v8, v6;
	v6 =	vld [tilespmem:s23+$0x14470]  }
0x15d: {  	v7 =	vmul.f32 v9, v7;
	v8 =	vmul.f32 v13, v10;
	v9 =	vld [tilespmem:s23+$0x15470];
	s23 =	sor.u32 s28, s2  }
0x15e: {  	v10 =	vmul.f32 v12, v11;
	v11 =	vmul.f32 v16, v14;
	v30 =	vld [tilespmem:s23+$0x14000]  }
0x15f: {  	v12 =	vmul.f32 v17, v15;
	v13 =	vmul.f32 v20, v18;
	v31 =	vld [tilespmem:s23+$0x15000]  }
0x160: {  	v14 =	vmul.f32 v21, v19;
	v15 =	vmul.f32 v24, v22;
	v32 =	vld [tilespmem:s23+$0x14010]  }
0x161: {  	v17 =	vadd.f32 v25, v23;
	v18 =	vadd.f32 v28, v27;
	v16 =	vmul.f32 v29, v26;
	v33 =	vld [tilespmem:s23+$0x15010]  }
0x162: {  	v4 =	vadd.f32 v5, v4;
	v5 =	vadd.f32 v8, v7;
	v27 =	vld [tilespmem:s23+$0x14020];
	v6 =	vmul.f32 v9, v6  }
0x163: {  	v7 =	vadd.f32 v11, v10;
	v8 =	vadd.f32 v13, v12;
	v28 =	vld [tilespmem:s23+$0x15020]  }
0x164: {  	v9 =	vadd.f32 v15, v14;
	v29 =	vld [tilespmem:s23+$0x14030];
	v6 =	vadd.f32 v6, v16  }
0x165: {  	v10 =	vadd.f32 v18, v17;
	v11 =	vadd.f32 v5, v4;
	v34 =	vld [tilespmem:s23+$0x15030]  }
0x166: {  	v7 =	vadd.f32 v8, v7;
	v4 =	vld [tilespmem:s23+$0x14040];
	v8 =	vadd.f32 v6, v9  }
0x167: {  	v5 =	vld [tilespmem:s23+$0x15040]  }
0x168: {  	v9 =	vadd.f32 v11, v10;
	v6 =	vld [tilespmem:s23+$0x14050];
	v10 =	vadd.f32 v8, v7  }
0x169: {  	v8 =	vld [tilespmem:s23+$0x15050]  }
0x16a: {  	v7 =	vld [tilespmem:s23+$0x14060];
	v11 =	vadd.f32 v10, v9  }
0x16b: {  	v9 =	vld [tilespmem:s23+$0x15060]  }
0x16c: {  	v10 =	vld [tilespmem:s23+$0x14070];
	(xrf2) =	vadd.scan.msk.f32 $0xffff, v11  }
0x16d: {  	v13 =	vld [tilespmem:s23+$0x15070]  }
0x16e: {  	v11 =	vld [tilespmem:s23+$0x14400]  }
0x16f: {  	v12 =	vld [tilespmem:s23+$0x15400]  }
0x170: {  	v14 =	vld [tilespmem:s23+$0x14410]  }
0x171: {  	v16 =	vld [tilespmem:s23+$0x15410]  }
0x172: {  	v15 =	vld [tilespmem:s23+$0x14420]  }
0x173: {  	v17 =	vld [tilespmem:s23+$0x15420]  }
0x174: {  	v18 =	vld [tilespmem:s23+$0x14430]  }
0x175: {  	v20 =	vld [tilespmem:s23+$0x15430]  }
0x176: {  	v19 =	vld [tilespmem:s23+$0x14440];
	v22, _, _ =	vpop (xrf2)  }
.Ltmp3:
0x177: {  	v23 =	vmov s22;
	s22 =	smov.u32 s26;
	v21 =	vld [tilespmem:s23+$0x15440];
	v25 =	vbroadcast v22, $0xF;
	(pc) =	sbr.rel @p0 .LBB2_8-.Ltmp3, $4  }
0x178: {  	vm1 =	veq.s32 v23, v0;
	v22 =	vld [tilespmem:s23+$0x14450]  }
0x179: {  	v24 =	vld [tilespmem:s23+$0x15450];
	v3 =	vsel vm1, v25, v3  }
0x17a: {  	v23 =	vmul.f32 v31, v30;
	v25 =	vmul.f32 v33, v32;
	v26 =	vld [tilespmem:s23+$0x14460]  }
0x17b: {  	s24 =	sadd.s32 $0x80, s24;
	s25 =	sadd.s32 $0x100, s25;
	s26 =	sadd.s32 $0x1, s26;
	v27 =	vmul.f32 v28, v27;
	v28 =	vmul.f32 v34, v29;
	v29 =	vld [tilespmem:s23+$0x15460]  }
0x17c: {  	v4 =	vmul.f32 v5, v4;
	v45 =	vld [tilespmem:s23+$0x14470]  }
0x17d: {  	v44 =	vmul.f32 v8, v6;
	v7 =	vmul.f32 v9, v7;
	v47 =	vld [tilespmem:s23+$0x15470]  }
0x17e: {  	v46 =	vmul.f32 v13, v10;
	v48 =	vmul.f32 v12, v11  }
0x17f: {  	v49 =	vmul.f32 v16, v14;
	v50 =	vmul.f32 v17, v15  }
0x180: {  	v51 =	vmul.f32 v20, v18;
	v52 =	vmul.f32 v21, v19;
	v55 =	vadd.f32 v25, v23  }
0x181: {  	v56 =	vadd.f32 v28, v27;
	v53 =	vmul.f32 v24, v22;
	v4 =	vadd.f32 v44, v4  }
0x182: {  	v57 =	vadd.f32 v46, v7;
	v54 =	vmul.f32 v29, v26;
	v6 =	vmul.f32 v47, v45  }
0x183: {  	v58 =	vadd.f32 v49, v48;
	v59 =	vadd.f32 v51, v50  }
0x184: {  	v60 =	vadd.f32 v53, v52;
	v6 =	vadd.f32 v6, v54  }
0x185: {  	v61 =	vadd.f32 v56, v55;
	v4 =	vadd.f32 v57, v4  }
0x186: {  	v62 =	vadd.f32 v59, v58;
	v6 =	vadd.f32 v6, v60;
	_ =	sdelay $0x1  }
0x187: {  	v4 =	vadd.f32 v4, v61;
	v5 =	vadd.f32 v6, v62;
	_ =	sdelay $0x1  }
0x188: {  	v4 =	vadd.f32 v5, v4;
	_ =	sdelay $0x1  }
0x189: {  	(xrf2) =	vadd.scan.msk.f32 $0xffff, v4;
	_ =	sdelay $0x9  }
0x18a: {  	v4, _, _ =	vpop (xrf2)  }
0x18b: {  	v63 =	vmov s22;
	v4 =	vbroadcast v4, $0xF  }
0x18c: {  	vm1 =	veq.s32 v63, v0  }
0x18d: {  	v3 =	vsel vm1, v4, v3  }
0x18e: {  	[tilespmem:$0x19380] =	vst v3  }
0x18f: {  	_ =	swait.ge [sflag:s19], $0x1000  }
0x190: {  	[sflag:s19] =	ssyncset.done $0x0  }
0x191: {  	[sflag:s19] =	ssyncadd.s32 $0xFFFFF000  }
0x192: {  	s21 =	sadd.s32 $0x1, s21;
	_ =	swait.ge [sflag:s19], $0x1000  }
0x193: {  	p0 =	sne.s32 s21, s7;
	[sflag:s19] =	ssyncset.done $0x0  }
.Ltmp4:
0x194: {  	[sflag:s19] =	ssyncadd.s32 $0xFFFFF000;
	(pc) =	sbr.rel @p0 .LBB2_1-.Ltmp4, $4  }
0x195: {  	[hbm4b:s6+s3] =	stream.linear.scatter [tilespmem:s20], [sflag:$0x3], $0x1388, $0x38;
	[tilespmem:$0x19400] =	vst v63  }
0x196: {  	_ =	swait.ge [sflag:s8], $0x1388  }
0x197: {  	[sflag:s8] =	ssyncset.done $0x0  }
0x198: {  	[sflag:s8] =	ssyncadd.s32 $0xFFFFEC78  }
0x199: {  	_ =	sfence.sel $0x180000  }
0x19a: {  	[bflag:$0x0] =	sbarrier.arrive $0xFFFF  }
0x19b: {  	_ =	strace $0x90000047  }
0x19c: {  	[bflag:$0x2] =	sbarrier.arrive $0xFFFF  }
0x19d: {  	p0 =	sne.s32 s0, $0x0;
	s0 =	rddreg [dreg:$0x3]  }
0x19e: {  	s0 =	sadd.s32 @!p0 $0x100000, s0  }
0x19f: {  	[sflag:s0] =	ssyncadd.tile.s32 @!p0 $0x1;
	_ =	shalt  }
.Lfunc_end2:
_tile_overlayer_lowered:
.L_overlay_start_2:
0x1a0: {  	(tag) =	ssettag $0x2  }
0x1a1: {  	s0 =	rddreg [dreg:$0x0];
	s2 =	stileid.u32  }
0x1a2: {  	s1 =	rddreg [dreg:$0x1];
	p0 =	sne.s32 s2, $0x0  }
0x1a3: {  	s3 =	rddreg [dreg:$0x2];
	[bflag:$0x3] =	sbarrier.arrive $0xFFFF;
	s2 =	simm.s32 @!p0 $0x1C03  }
0x1a4: {  	[timem:s3], [sflag:s2] =	dma.local @!p0 [hbm:s0], s1  }
0x1a5: {  	s0 =	simm.s32 @!p0 $0x3  }
0x1a6: {  	_ =	swait.ge @!p0 [sflag:s0], s1  }
0x1a7: {  	s1 =	ssub.s32 @!p0 $0x0, s1;
	[sflag:s0] =	ssyncset.done @!p0 $0x0  }
0x1a8: {  	[sflag:s0] =	ssyncadd.s32 @!p0 s1  }
0x1a9: {  	[bflag:$0x3] =	sbarrier.arrive $0xFFFF  }
0x1aa: {  	_ =	shalt  }

</sc_bundles>
